<compile_context>
chip_gen: v7x
topology: tpu7x:2x2x1
jax: 0.10.2.dev20260603
libtpu: 0.0.44.dev20260713+nightly
codegen_flags: <defaults>
</compile_context>

<pallas_src>
import functools

import jax
import jax.numpy as jnp
from jax import lax
from jax.experimental import pallas as pl
from jax.experimental.pallas import tpu as pltpu
from jax.experimental.pallas import tpu_sc as plsc

_TN = 512
_KC = 512


def _dot(a, b):
    return lax.dot_general(a, b, (((1,), (0,)), ((), ())),
                           preferred_element_type=jnp.float32)


def _enc_vq_body(x_ref, w1_ref, b1_ref, w2_ref, b2_ref, cbt_ref, cbtb_ref,
                 z_ref, idx_ref, bsq_ref):
    K = cbt_ref.shape[1]

    @pl.when(pl.program_id(0) == 0)
    def _():
        cbt = cbt_ref[...]
        bsq_ref[...] = jnp.sum(cbt * cbt, axis=0, keepdims=True)

    h = jnp.maximum(_dot(x_ref[...].astype(jnp.bfloat16), w1_ref[...])
                    + b1_ref[...], 0.0)
    z = _dot(h.astype(jnp.bfloat16), w2_ref[...]) + b2_ref[...]
    a = jnp.sum(z * z, axis=1, keepdims=True)
    zb2 = (z * -2.0).astype(jnp.bfloat16)
    tn = z.shape[0]
    kc = min(_KC, K)
    run_min = None
    for c in range(0, K, kc):
        m2 = _dot(zb2, cbtb_ref[:, c:c + kc])
        d = (a + bsq_ref[:, c:c + kc]) + m2
        cmin = jnp.min(d, axis=1, keepdims=True)
        iota = lax.broadcasted_iota(jnp.int32, (1, kc), 1) + c
        cidx = jnp.min(jnp.where(d == cmin, iota, K), axis=1, keepdims=True)
        if run_min is None:
            run_min, run_idx = cmin, cidx
        else:
            better = cmin < run_min
            run_min = jnp.where(better, cmin, run_min)
            run_idx = jnp.where(better, cidx, run_idx)
    z_ref[...] = z
    idx_ref[0, 0, :] = run_idx.reshape(tn)


def _dec_body(q_ref, z_ref, w1_ref, b1_ref, w2_ref, b2_ref,
              xr_ref, loss_ref):
    q = q_ref[...].astype(jnp.bfloat16).astype(jnp.float32)
    z = z_ref[...]
    diff = q - z

    @pl.when(pl.program_id(0) == 0)
    def _():
        loss_ref[...] = jnp.zeros_like(loss_ref)

    loss_ref[...] += jnp.sum(diff * diff)
    qst = z + diff
    hd = jnp.maximum(_dot(qst.astype(jnp.bfloat16), w1_ref[...]) + b1_ref[...],
                     0.0)
    logits = _dot(hd.astype(jnp.bfloat16), w2_ref[...]) + b2_ref[...]
    xr_ref[...] = 1.0 / (1.0 + jnp.exp(-logits))


def _sc_gather(table, idx):
    n, d = idx.shape[0], table.shape[1]
    nw = 32
    bpw = n // nw
    mesh = plsc.VectorSubcoreMesh(core_axis_name="c", subcore_axis_name="s")

    @functools.partial(
        pl.kernel,
        mesh=mesh,
        out_type=jax.ShapeDtypeStruct((n, d), jnp.float32),
        scratch_types=[
            pltpu.VMEM((bpw,), jnp.int32),
            pltpu.VMEM((bpw, d), jnp.float32),
            pltpu.SemaphoreType.DMA,
        ],
    )
    def gather(table_hbm, idx_hbm, out_hbm, idx_v, rows_v, sem):
        wid = lax.axis_index("s") * 2 + lax.axis_index("c")
        base = wid * bpw
        pltpu.sync_copy(idx_hbm.at[pl.ds(base, bpw)], idx_v)
        pltpu.async_copy(table_hbm.at[idx_v], rows_v, sem).wait()
        pltpu.sync_copy(rows_v, out_hbm.at[pl.ds(base, bpw)])

    return gather(table, idx)


def _enc_vq(xp, w1b, b1r, w2b, b2r, cbt, cbtb):
    n, D = xp.shape
    H = w1b.shape[1]
    L = w2b.shape[1]
    K = cbt.shape[1]
    nt = n // _TN
    return pl.pallas_call(
        _enc_vq_body,
        grid=(nt,),
        in_specs=[
            pl.BlockSpec((_TN, D), lambda i: (i, 0)),
            pl.BlockSpec((D, H), lambda i: (0, 0)),
            pl.BlockSpec((1, H), lambda i: (0, 0)),
            pl.BlockSpec((H, L), lambda i: (0, 0)),
            pl.BlockSpec((1, L), lambda i: (0, 0)),
            pl.BlockSpec((L, K), lambda i: (0, 0)),
            pl.BlockSpec((L, K), lambda i: (0, 0)),
        ],
        out_specs=[
            pl.BlockSpec((_TN, L), lambda i: (i, 0)),
            pl.BlockSpec((1, 1, _TN), lambda i: (i, 0, 0)),
        ],
        out_shape=[
            jax.ShapeDtypeStruct((n, L), jnp.float32),
            jax.ShapeDtypeStruct((nt, 1, _TN), jnp.int32),
        ],
        scratch_shapes=[pltpu.VMEM((1, K), jnp.float32)],
    )(xp, w1b, b1r, w2b, b2r, cbt, cbtb)


def _dec(q, z, w1b, b1r, w2b, b2r):
    n, L = q.shape
    H = w1b.shape[1]
    D = w2b.shape[1]
    nt = n // _TN
    return pl.pallas_call(
        _dec_body,
        grid=(nt,),
        in_specs=[
            pl.BlockSpec((_TN, L), lambda i: (i, 0)),
            pl.BlockSpec((_TN, L), lambda i: (i, 0)),
            pl.BlockSpec((L, H), lambda i: (0, 0)),
            pl.BlockSpec((1, H), lambda i: (0, 0)),
            pl.BlockSpec((H, D), lambda i: (0, 0)),
            pl.BlockSpec((1, D), lambda i: (0, 0)),
        ],
        out_specs=[
            pl.BlockSpec((_TN, D), lambda i: (i, 0)),
            pl.BlockSpec((1, 1), lambda i: (0, 0)),
        ],
        out_shape=[
            jax.ShapeDtypeStruct((n, D), jnp.float32),
            jax.ShapeDtypeStruct((1, 1), jnp.float32),
        ],
    )(q, z, w1b, b1r, w2b, b2r)


def kernel(x, enc_W1, enc_b1, enc_W2, enc_b2, codebook, dec_W1, dec_b1,
           dec_W2, dec_b2):
    N, D = x.shape
    H = enc_W1.shape[1]
    L = enc_W2.shape[1]

    cbt = codebook.T
    bf = jnp.bfloat16
    ew1, eb1 = enc_W1.astype(bf), enc_b1.reshape(1, H)
    ew2, eb2 = enc_W2.astype(bf), enc_b2.reshape(1, L)
    dw1, db1 = dec_W1.astype(bf), dec_b1.reshape(1, H)
    dw2, db2 = dec_W2.astype(bf), dec_b2.reshape(1, D)
    cbtb = cbt.astype(bf)

    z, i3 = _enc_vq(x, ew1, eb1, ew2, eb2, cbt, cbtb)
    idx = i3.reshape(N)
    q = _sc_gather(codebook, idx)
    x_recon, ls = _dec(q, z, dw1, db1, dw2, db2)

    vq_loss = 1.25 * (ls[0, 0] / (N * L))
    return (x_recon, vq_loss, idx[:, None])

# --- scband reference (transcript-rebuilt; emitter-appended) ---
"""Pipeline reference for scband-vqvae-4080218931432 (READ-ONLY COPY).

The authoritative reference and input builder live on the scoring server;
editing this copy changes nothing except your own understanding.
"""

import jax, jax.numpy as jnp
import numpy as np


def setup_inputs(seed: int = 0) -> dict:
    key = jax.random.key(seed)
    ks = jax.random.split(key, 10)
    N, D, H, L, K = 8192, 768, 2048, 256, 8192
    inp = {
        "x": jax.random.normal(ks[0], (N, D), jnp.float32),
        "enc_W1": jax.random.normal(ks[1], (D, H), jnp.float32) * (1.0 / np.sqrt(D)),
        "enc_b1": jnp.zeros((H,), jnp.float32),
        "enc_W2": jax.random.normal(ks[2], (H, L), jnp.float32) * (1.0 / np.sqrt(H)),
        "enc_b2": jnp.zeros((L,), jnp.float32),
        "codebook": jax.random.uniform(ks[3], (K, L), jnp.float32, minval=-1.0 / K, maxval=1.0 / K),
        "dec_W1": jax.random.normal(ks[4], (L, H), jnp.float32) * (1.0 / np.sqrt(L)),
        "dec_b1": jnp.zeros((H,), jnp.float32),
        "dec_W2": jax.random.normal(ks[5], (H, D), jnp.float32) * (1.0 / np.sqrt(H)),
        "dec_b2": jnp.zeros((D,), jnp.float32),
    }
    return inp


def reference(x, enc_W1, enc_b1, enc_W2, enc_b2, codebook, dec_W1, dec_b1, dec_W2, dec_b2):
    commitment_cost = 0.25
    # encoder
    h = jnp.maximum(x @ enc_W1 + enc_b1, 0.0)
    z = h @ enc_W2 + enc_b2
    # vector quantizer
    L = codebook.shape[1]
    K = codebook.shape[0]
    flat_input = z.reshape(-1, L)
    distances = (jnp.sum(flat_input ** 2, axis=1, keepdims=True)
                 + jnp.sum(codebook ** 2, axis=1)
                 - 2.0 * (flat_input @ codebook.T))
    encoding_indices = jnp.argmin(distances, axis=1)
    N = flat_input.shape[0]
    encodings = jnp.zeros((N, K), flat_input.dtype).at[jnp.arange(N), encoding_indices].set(1.0)
    quantized = (encodings @ codebook).reshape(z.shape)
    e_latent_loss = jnp.mean((jax.lax.stop_gradient(quantized) - z) ** 2)
    q_latent_loss = jnp.mean((quantized - jax.lax.stop_gradient(z)) ** 2)
    vq_loss = q_latent_loss + commitment_cost * e_latent_loss
    quantized_st = z + jax.lax.stop_gradient(quantized - z)
    # decoder
    hd = jnp.maximum(quantized_st @ dec_W1 + dec_b1, 0.0)
    x_recon = jax.nn.sigmoid(hd @ dec_W2 + dec_b2)
    return (x_recon, vq_loss, encoding_indices[:, None])

if __name__ == "__main__":
    import jax
    _d = setup_inputs()
    print(jax.jit(kernel)(*tuple(_d.values())))

</pallas_src>

<mosaic_0001>
#map = affine_map<(d0, d1) -> (0, 0)>
#map1 = affine_map<(d0, d1) -> (0)>
module attributes {stable_mosaic.version = 14 : i64} {
  func.func @gather(%arg0: i32, %arg1: i32, %arg2: memref<8192x256xf32, #tpu.memory_space<hbm>>, %arg3: memref<8192xi32, #tpu.memory_space<hbm>>, %arg4: memref<8192x256xf32, #tpu.memory_space<hbm>>, %arg5: memref<256xi32, #tpu.memory_space<vmem>>, %arg6: memref<256x256xf32, #tpu.memory_space<vmem>>, %arg7: memref<!tpu.dma_semaphore, #tpu.memory_space<semaphore_mem>>) attributes {dimension_semantics = [#tpu.dimension_semantics<core_parallel>, #tpu.dimension_semantics<subcore_parallel>], iteration_bounds = array<i64: 2, 16>, scalar_prefetch = 0 : i64, scratch_operands = 3 : i64, tpu.core_type = #tpu.core_type<sc_vector_subcore>, window_params = [{transform_indices = #map}, {transform_indices = #map1}, {transform_indices = #map}]} {
    %mul3A = arith.constant 2 : i32
    %mul3A_0 = arith.muli %arg1, %mul3A : i32
    %add3A = arith.addi %mul3A_0, %arg0 : i32
    %mul3A_1 = arith.constant 256 : i32
    %mul3A_2 = arith.muli %add3A, %mul3A_1 : i32
    "tpu.region"() ({
      %run_scoped3A = tpu.sem_alloc : memref<!tpu.dma_semaphore, #tpu.memory_space<semaphore_mem>>
      %dma_start3A_7 = tpu.memref_slice %arg3[%mul3A_2] : memref<8192xi32, #tpu.memory_space<hbm>> -> memref<256xi32, #tpu.memory_space<hbm>>
      %dma_start3A_8 = tpu.memref_slice %arg3[%mul3A_2] : memref<8192xi32, #tpu.memory_space<hbm>> -> memref<256xi32, #tpu.memory_space<hbm>>
      tpu.enqueue_dma source(%dma_start3A_8 : memref<256xi32, #tpu.memory_space<hbm>>) target(%arg5 : memref<256xi32, #tpu.memory_space<vmem>>) target_semaphore(%run_scoped3A : memref<!tpu.dma_semaphore, #tpu.memory_space<semaphore_mem>>)
      %dma_wait3A_9 = tpu.memref_slice %arg3[%mul3A_2] : memref<8192xi32, #tpu.memory_space<hbm>> -> memref<256xi32, #tpu.memory_space<hbm>>
      %dma_wait3A_10 = tpu.memref_slice %arg3[%mul3A_2] : memref<8192xi32, #tpu.memory_space<hbm>> -> memref<256xi32, #tpu.memory_space<hbm>>
      tpu.wait_dma2 semaphore(%run_scoped3A : memref<!tpu.dma_semaphore, #tpu.memory_space<semaphore_mem>>) src(%dma_wait3A_10 : memref<256xi32, #tpu.memory_space<hbm>>) dst(%arg5 : memref<256xi32, #tpu.memory_space<vmem>>)
      tpu.yield
    }) : () -> ()
    %dma_start3A = arith.constant 0 : i32
    %dma_start3A_3 = arith.constant 0 : i32
    %dma_start3A_4 = tpu.memref_slice %arg2[%dma_start3A, %dma_start3A_3] : memref<8192x256xf32, #tpu.memory_space<hbm>> -> memref<8192x256xf32, #tpu.memory_space<hbm>>
    tpu.enqueue_indirect_dma source(%dma_start3A_4 : memref<8192x256xf32, #tpu.memory_space<hbm>>) target(%arg6 : memref<256x256xf32, #tpu.memory_space<vmem>>) offsets(%arg5 : memref<256xi32, #tpu.memory_space<vmem>>) semaphore(%arg7 : memref<!tpu.dma_semaphore, #tpu.memory_space<semaphore_mem>>)
    %dma_wait3A = arith.constant 0 : i32
    %dma_wait3A_5 = arith.constant 0 : i32
    %dma_wait3A_6 = tpu.memref_slice %arg2[%dma_wait3A, %dma_wait3A_5] : memref<8192x256xf32, #tpu.memory_space<hbm>> -> memref<8192x256xf32, #tpu.memory_space<hbm>>
    tpu.wait_indirect_dma semaphore(%arg7 : memref<!tpu.dma_semaphore, #tpu.memory_space<semaphore_mem>>) src(%dma_wait3A_6 : memref<8192x256xf32, #tpu.memory_space<hbm>>) dst(%arg6 : memref<256x256xf32, #tpu.memory_space<vmem>>)
    "tpu.region"() ({
      %run_scoped3A = tpu.sem_alloc : memref<!tpu.dma_semaphore, #tpu.memory_space<semaphore_mem>>
      %dma_start3A_7 = arith.constant 0 : i32
      %dma_start3A_8 = tpu.memref_slice %arg4[%mul3A_2, %dma_start3A_7] : memref<8192x256xf32, #tpu.memory_space<hbm>> -> memref<256x256xf32, #tpu.memory_space<hbm>>
      %dma_start3A_9 = arith.constant 0 : i32
      %dma_start3A_10 = tpu.memref_slice %arg4[%mul3A_2, %dma_start3A_9] : memref<8192x256xf32, #tpu.memory_space<hbm>> -> memref<256x256xf32, #tpu.memory_space<hbm>>
      tpu.enqueue_dma source(%arg6 : memref<256x256xf32, #tpu.memory_space<vmem>>) target(%dma_start3A_10 : memref<256x256xf32, #tpu.memory_space<hbm>>) target_semaphore(%run_scoped3A : memref<!tpu.dma_semaphore, #tpu.memory_space<semaphore_mem>>)
      %dma_wait3A_11 = arith.constant 0 : i32
      %dma_wait3A_12 = tpu.memref_slice %arg4[%mul3A_2, %dma_wait3A_11] : memref<8192x256xf32, #tpu.memory_space<hbm>> -> memref<256x256xf32, #tpu.memory_space<hbm>>
      %dma_wait3A_13 = arith.constant 0 : i32
      %dma_wait3A_14 = tpu.memref_slice %arg4[%mul3A_2, %dma_wait3A_13] : memref<8192x256xf32, #tpu.memory_space<hbm>> -> memref<256x256xf32, #tpu.memory_space<hbm>>
      tpu.wait_dma2 semaphore(%run_scoped3A : memref<!tpu.dma_semaphore, #tpu.memory_space<semaphore_mem>>) src(%arg6 : memref<256x256xf32, #tpu.memory_space<vmem>>) dst(%dma_wait3A_14 : memref<256x256xf32, #tpu.memory_space<hbm>>)
      tpu.yield
    }) : () -> ()
    return
  }
}

module attributes {stable_mosaic.version = 14 : i64} {
  func.func @_enc_vq_body(%arg0: i32, %arg1: memref<512x768xf32, #tpu.memory_space<vmem>>, %arg2: memref<768x2048xbf16, #tpu.memory_space<vmem>>, %arg3: memref<1x2048xf32, #tpu.memory_space<vmem>>, %arg4: memref<2048x256xbf16, #tpu.memory_space<vmem>>, %arg5: memref<1x256xf32, #tpu.memory_space<vmem>>, %arg6: memref<256x8192xf32, #tpu.memory_space<vmem>>, %arg7: memref<256x8192xbf16, #tpu.memory_space<vmem>>, %arg8: memref<512x256xf32, #tpu.memory_space<vmem>>, %arg9: memref<1x1x512xi32, #tpu.memory_space<vmem>>, %arg10: memref<1x8192xf32, #tpu.memory_space<vmem>>) attributes {dimension_semantics = [#tpu.dimension_semantics<arbitrary>], iteration_bounds = array<i64: 16>, scalar_prefetch = 0 : i64, scratch_operands = 1 : i64, tpu.core_type = #tpu.core_type<tc>, window_params = [{transform_indices = @transform_0, window_bounds = array<i64: 512, 768>}, {pipeline_mode = #tpu.pipeline_mode<synchronous>, transform_indices = @transform_1, window_bounds = array<i64: 768, 2048>}, {pipeline_mode = #tpu.pipeline_mode<synchronous>, transform_indices = @transform_2, window_bounds = array<i64: 1, 2048>}, {pipeline_mode = #tpu.pipeline_mode<synchronous>, transform_indices = @transform_3, window_bounds = array<i64: 2048, 256>}, {pipeline_mode = #tpu.pipeline_mode<synchronous>, transform_indices = @transform_4, window_bounds = array<i64: 1, 256>}, {pipeline_mode = #tpu.pipeline_mode<synchronous>, transform_indices = @transform_5, window_bounds = array<i64: 256, 8192>}, {pipeline_mode = #tpu.pipeline_mode<synchronous>, transform_indices = @transform_6, window_bounds = array<i64: 256, 8192>}, {transform_indices = @transform_7, window_bounds = array<i64: 512, 256>}, {transform_indices = @transform_8, window_bounds = array<i64: 1, 1, 512>}]} {
    %eq3A = arith.constant 0 : i32
    %eq3A_0 = arith.cmpi eq, %arg0, %eq3A : i32
    %convert_element_type3A = arith.extui %eq3A_0 : i1 to i32
    %cond3A = arith.constant 0 : i32
    %cond3A_1 = arith.cmpi ne, %convert_element_type3A, %cond3A : i32
    scf.if %cond3A_1 {
      %get3A_542 = arith.constant 0 : index
      %get3A_543 = arith.constant 0 : index
      %get3A_544 = vector.load %arg6[%get3A_542, %get3A_543] : memref<256x8192xf32, #tpu.memory_space<vmem>>, vector<256x8192xf32>
      %mul3A_545 = arith.mulf %get3A_544, %get3A_544 : vector<256x8192xf32>
      %reduce_sum3A_546 = arith.constant dense<0.000000e+00> : vector<8192xf32>
      %reduce_sum3A_547 = vector.multi_reduction <add>, %mul3A_545, %reduce_sum3A_546 [0] : vector<256x8192xf32> to vector<8192xf32>
      %broadcast_in_dim3A_548 = vector.shape_cast %reduce_sum3A_547 : vector<8192xf32> to vector<1x8192xf32>
      %swap3A_549 = arith.constant 0 : index
      %swap3A_550 = arith.constant 0 : index
      %swap3A_551 = vector.load %arg10[%swap3A_549, %swap3A_550] : memref<1x8192xf32, #tpu.memory_space<vmem>>, vector<1x8192xf32>
      tpu.vector_store %arg10[%swap3A_549, %swap3A_550], %broadcast_in_dim3A_548 {strides = array<i32>} : memref<1x8192xf32, #tpu.memory_space<vmem>>, vector<1x8192xf32>,
    } else {
    }
    %get3A = arith.constant 0 : index
    %get3A_2 = arith.constant 0 : index
    %get3A_3 = vector.load %arg1[%get3A, %get3A_2] : memref<512x768xf32, #tpu.memory_space<vmem>>, vector<512x768xf32>
    %convert_element_type3A_4 = arith.truncf %get3A_3 : vector<512x768xf32> to vector<512x768xbf16>
    %get3A_5 = arith.constant 0 : index
    %get3A_6 = arith.constant 0 : index
    %get3A_7 = vector.load %arg2[%get3A_5, %get3A_6] : memref<768x2048xbf16, #tpu.memory_space<vmem>>, vector<768x2048xbf16>
    %dot_general3A = arith.constant dense<0.000000e+00> : vector<512x2048xf32>
    %dot_general3A_8 = tpu.matmul %convert_element_type3A_4, %get3A_7, %dot_general3A {dimension_numbers = #tpu.dot_dimension_numbers<[1], [0], [0], [1], [0, 0, 1, 1], [], []>, transpose_lhs_hint = false} : vector<512x768xbf16>, vector<768x2048xbf16>, vector<512x2048xf32> -> vector<512x2048xf32>
    %get3A_9 = arith.constant 0 : index
    %get3A_10 = arith.constant 0 : index
    %get3A_11 = vector.load %arg3[%get3A_9, %get3A_10] : memref<1x2048xf32, #tpu.memory_space<vmem>>, vector<1x2048xf32>
    %add3A = vector.broadcast %get3A_11 : vector<1x2048xf32> to vector<512x2048xf32>
    %add3A_12 = arith.addf %dot_general3A_8, %add3A : vector<512x2048xf32>
    %max3A = arith.constant 0.000000e+00 : f32
    %max3A_13 = vector.broadcast %max3A : f32 to vector<512x2048xf32>
    %max3A_14 = arith.maximumf %add3A_12, %max3A_13 : vector<512x2048xf32>
    %convert_element_type3A_15 = arith.truncf %max3A_14 : vector<512x2048xf32> to vector<512x2048xbf16>
    %get3A_16 = arith.constant 0 : index
    %get3A_17 = arith.constant 0 : index
    %get3A_18 = vector.load %arg4[%get3A_16, %get3A_17] : memref<2048x256xbf16, #tpu.memory_space<vmem>>, vector<2048x256xbf16>
    %dot_general3A_19 = arith.constant dense<0.000000e+00> : vector<512x256xf32>
    %dot_general3A_20 = tpu.matmul %convert_element_type3A_15, %get3A_18, %dot_general3A_19 {dimension_numbers = #tpu.dot_dimension_numbers<[1], [0], [0], [1], [0, 0, 1, 1], [], []>, transpose_lhs_hint = false} : vector<512x2048xbf16>, vector<2048x256xbf16>, vector<512x256xf32> -> vector<512x256xf32>
    %get3A_21 = arith.constant 0 : index
    %get3A_22 = arith.constant 0 : index
    %get3A_23 = vector.load %arg5[%get3A_21, %get3A_22] : memref<1x256xf32, #tpu.memory_space<vmem>>, vector<1x256xf32>
    %add3A_24 = vector.broadcast %get3A_23 : vector<1x256xf32> to vector<512x256xf32>
    %add3A_25 = arith.addf %dot_general3A_20, %add3A_24 : vector<512x256xf32>
    %mul3A = arith.mulf %add3A_25, %add3A_25 : vector<512x256xf32>
    %reduce_sum3A = arith.constant dense<0.000000e+00> : vector<512xf32>
    %reduce_sum3A_26 = vector.multi_reduction <add>, %mul3A, %reduce_sum3A [1] : vector<512x256xf32> to vector<512xf32>
    %broadcast_in_dim3A = vector.shape_cast %reduce_sum3A_26 : vector<512xf32> to vector<512x1xf32>
    %mul3A_27 = arith.constant -2.000000e+00 : f32
    %mul3A_28 = vector.broadcast %mul3A_27 : f32 to vector<512x256xf32>
    %mul3A_29 = arith.mulf %add3A_25, %mul3A_28 : vector<512x256xf32>
    %convert_element_type3A_30 = arith.truncf %mul3A_29 : vector<512x256xf32> to vector<512x256xbf16>
    %get3A_31 = arith.constant 0 : index
    %get3A_32 = arith.constant 0 : index
    %get3A_33 = vector.load %arg7[%get3A_31, %get3A_32] : memref<256x8192xbf16, #tpu.memory_space<vmem>>, vector<256x512xbf16>
    %dot_general3A_34 = arith.constant dense<0.000000e+00> : vector<512x512xf32>
    %dot_general3A_35 = tpu.matmul %convert_element_type3A_30, %get3A_33, %dot_general3A_34 {dimension_numbers = #tpu.dot_dimension_numbers<[1], [0], [0], [1], [0, 0, 1, 1], [], []>, transpose_lhs_hint = false} : vector<512x256xbf16>, vector<256x512xbf16>, vector<512x512xf32> -> vector<512x512xf32>
    %get3A_36 = arith.constant 0 : index
    %get3A_37 = arith.constant 0 : index
    %get3A_38 = vector.load %arg10[%get3A_36, %get3A_37] : memref<1x8192xf32, #tpu.memory_space<vmem>>, vector<1x512xf32>
    %add3A_39 = vector.broadcast %broadcast_in_dim3A : vector<512x1xf32> to vector<512x512xf32>
    %add3A_40 = vector.broadcast %get3A_38 : vector<1x512xf32> to vector<512x512xf32>
    %add3A_41 = arith.addf %add3A_39, %add3A_40 : vector<512x512xf32>
    %add3A_42 = arith.addf %add3A_41, %dot_general3A_35 : vector<512x512xf32>
    %reduce_min3A = arith.constant dense<0x7F800000> : vector<512xf32>
    %reduce_min3A_43 = vector.multi_reduction <minimumf>, %add3A_42, %reduce_min3A [1] : vector<512x512xf32> to vector<512xf32>
    %broadcast_in_dim3A_44 = vector.shape_cast %reduce_min3A_43 : vector<512xf32> to vector<512x1xf32>
    %iota3A = tpu.iota {dimensions = array<i32: 1>} : vector<1x512xi32>
    %add3A_45 = arith.constant 0 : i32
    %add3A_46 = vector.broadcast %add3A_45 : i32 to vector<1x512xi32>
    %add3A_47 = arith.addi %iota3A, %add3A_46 : vector<1x512xi32>
    %eq3A_48 = vector.broadcast %broadcast_in_dim3A_44 : vector<512x1xf32> to vector<512x512xf32>
    %eq3A_49 = arith.cmpf oeq, %add3A_42, %eq3A_48 : vector<512x512xf32>
    %jit3A = arith.constant 8192 : i32
    %broadcast_in_dim3A_50 = vector.shape_cast %add3A_47 : vector<1x512xi32> to vector<1x512xi32>
    %broadcast_in_dim3A_51 = vector.broadcast %broadcast_in_dim3A_50 : vector<1x512xi32> to vector<512x512xi32>
    %broadcast_in_dim3A_52 = vector.broadcast %jit3A : i32 to vector<512x512xi32>
    %select_n3A = arith.select %eq3A_49, %broadcast_in_dim3A_51, %broadcast_in_dim3A_52 : vector<512x512xi1>, vector<512x512xi32>
    %reduce_min3A_53 = arith.constant dense<2147483647> : vector<512xi32>
    %reduce_min3A_54 = vector.multi_reduction <minsi>, %select_n3A, %reduce_min3A_53 [1] : vector<512x512xi32> to vector<512xi32>
    %broadcast_in_dim3A_55 = vector.shape_cast %reduce_min3A_54 : vector<512xi32> to vector<512x1xi32>
    %get3A_56 = arith.constant 0 : index
    %get3A_57 = arith.constant 512 : index
    %get3A_58 = vector.load %arg7[%get3A_56, %get3A_57] : memref<256x8192xbf16, #tpu.memory_space<vmem>>, vector<256x512xbf16>
    %dot_general3A_59 = arith.constant dense<0.000000e+00> : vector<512x512xf32>
    %dot_general3A_60 = tpu.matmul %convert_element_type3A_30, %get3A_58, %dot_general3A_59 {dimension_numbers = #tpu.dot_dimension_numbers<[1], [0], [0], [1], [0, 0, 1, 1], [], []>, transpose_lhs_hint = false} : vector<512x256xbf16>, vector<256x512xbf16>, vector<512x512xf32> -> vector<512x512xf32>
    %get3A_61 = arith.constant 0 : index
    %get3A_62 = arith.constant 512 : index
    %get3A_63 = vector.load %arg10[%get3A_61, %get3A_62] : memref<1x8192xf32, #tpu.memory_space<vmem>>, vector<1x512xf32>
    %add3A_64 = vector.broadcast %broadcast_in_dim3A : vector<512x1xf32> to vector<512x512xf32>
    %add3A_65 = vector.broadcast %get3A_63 : vector<1x512xf32> to vector<512x512xf32>
    %add3A_66 = arith.addf %add3A_64, %add3A_65 : vector<512x512xf32>
    %add3A_67 = arith.addf %add3A_66, %dot_general3A_60 : vector<512x512xf32>
    %reduce_min3A_68 = arith.constant dense<0x7F800000> : vector<512xf32>
    %reduce_min3A_69 = vector.multi_reduction <minimumf>, %add3A_67, %reduce_min3A_68 [1] : vector<512x512xf32> to vector<512xf32>
    %broadcast_in_dim3A_70 = vector.shape_cast %reduce_min3A_69 : vector<512xf32> to vector<512x1xf32>
    %iota3A_71 = tpu.iota {dimensions = array<i32: 1>} : vector<1x512xi32>
    %add3A_72 = arith.constant 512 : i32
    %add3A_73 = vector.broadcast %add3A_72 : i32 to vector<1x512xi32>
    %add3A_74 = arith.addi %iota3A_71, %add3A_73 : vector<1x512xi32>
    %eq3A_75 = vector.broadcast %broadcast_in_dim3A_70 : vector<512x1xf32> to vector<512x512xf32>
    %eq3A_76 = arith.cmpf oeq, %add3A_67, %eq3A_75 : vector<512x512xf32>
    %jit3A_77 = arith.constant 8192 : i32
    %broadcast_in_dim3A_78 = vector.shape_cast %add3A_74 : vector<1x512xi32> to vector<1x512xi32>
    %broadcast_in_dim3A_79 = vector.broadcast %broadcast_in_dim3A_78 : vector<1x512xi32> to vector<512x512xi32>
    %broadcast_in_dim3A_80 = vector.broadcast %jit3A_77 : i32 to vector<512x512xi32>
    %select_n3A_81 = arith.select %eq3A_76, %broadcast_in_dim3A_79, %broadcast_in_dim3A_80 : vector<512x512xi1>, vector<512x512xi32>
    %reduce_min3A_82 = arith.constant dense<2147483647> : vector<512xi32>
    %reduce_min3A_83 = vector.multi_reduction <minsi>, %select_n3A_81, %reduce_min3A_82 [1] : vector<512x512xi32> to vector<512xi32>
    %broadcast_in_dim3A_84 = vector.shape_cast %reduce_min3A_83 : vector<512xi32> to vector<512x1xi32>
    %lt3A = arith.cmpf olt, %broadcast_in_dim3A_70, %broadcast_in_dim3A_44 : vector<512x1xf32>
    %select_n3A_85 = arith.select %lt3A, %broadcast_in_dim3A_70, %broadcast_in_dim3A_44 : vector<512x1xi1>, vector<512x1xf32>
    %select_n3A_86 = arith.select %lt3A, %broadcast_in_dim3A_84, %broadcast_in_dim3A_55 : vector<512x1xi1>, vector<512x1xi32>
    %get3A_87 = arith.constant 0 : index
    %get3A_88 = arith.constant 1024 : index
    %get3A_89 = vector.load %arg7[%get3A_87, %get3A_88] : memref<256x8192xbf16, #tpu.memory_space<vmem>>, vector<256x512xbf16>
    %dot_general3A_90 = arith.constant dense<0.000000e+00> : vector<512x512xf32>
    %dot_general3A_91 = tpu.matmul %convert_element_type3A_30, %get3A_89, %dot_general3A_90 {dimension_numbers = #tpu.dot_dimension_numbers<[1], [0], [0], [1], [0, 0, 1, 1], [], []>, transpose_lhs_hint = false} : vector<512x256xbf16>, vector<256x512xbf16>, vector<512x512xf32> -> vector<512x512xf32>
    %get3A_92 = arith.constant 0 : index
    %get3A_93 = arith.constant 1024 : index
    %get3A_94 = vector.load %arg10[%get3A_92, %get3A_93] : memref<1x8192xf32, #tpu.memory_space<vmem>>, vector<1x512xf32>
    %add3A_95 = vector.broadcast %broadcast_in_dim3A : vector<512x1xf32> to vector<512x512xf32>
    %add3A_96 = vector.broadcast %get3A_94 : vector<1x512xf32> to vector<512x512xf32>
    %add3A_97 = arith.addf %add3A_95, %add3A_96 : vector<512x512xf32>
    %add3A_98 = arith.addf %add3A_97, %dot_general3A_91 : vector<512x512xf32>
    %reduce_min3A_99 = arith.constant dense<0x7F800000> : vector<512xf32>
    %reduce_min3A_100 = vector.multi_reduction <minimumf>, %add3A_98, %reduce_min3A_99 [1] : vector<512x512xf32> to vector<512xf32>
    %broadcast_in_dim3A_101 = vector.shape_cast %reduce_min3A_100 : vector<512xf32> to vector<512x1xf32>
    %iota3A_102 = tpu.iota {dimensions = array<i32: 1>} : vector<1x512xi32>
    %add3A_103 = arith.constant 1024 : i32
    %add3A_104 = vector.broadcast %add3A_103 : i32 to vector<1x512xi32>
    %add3A_105 = arith.addi %iota3A_102, %add3A_104 : vector<1x512xi32>
    %eq3A_106 = vector.broadcast %broadcast_in_dim3A_101 : vector<512x1xf32> to vector<512x512xf32>
    %eq3A_107 = arith.cmpf oeq, %add3A_98, %eq3A_106 : vector<512x512xf32>
    %jit3A_108 = arith.constant 8192 : i32
    %broadcast_in_dim3A_109 = vector.shape_cast %add3A_105 : vector<1x512xi32> to vector<1x512xi32>
    %broadcast_in_dim3A_110 = vector.broadcast %broadcast_in_dim3A_109 : vector<1x512xi32> to vector<512x512xi32>
    %broadcast_in_dim3A_111 = vector.broadcast %jit3A_108 : i32 to vector<512x512xi32>
    %select_n3A_112 = arith.select %eq3A_107, %broadcast_in_dim3A_110, %broadcast_in_dim3A_111 : vector<512x512xi1>, vector<512x512xi32>
    %reduce_min3A_113 = arith.constant dense<2147483647> : vector<512xi32>
    %reduce_min3A_114 = vector.multi_reduction <minsi>, %select_n3A_112, %reduce_min3A_113 [1] : vector<512x512xi32> to vector<512xi32>
    %broadcast_in_dim3A_115 = vector.shape_cast %reduce_min3A_114 : vector<512xi32> to vector<512x1xi32>
    %lt3A_116 = arith.cmpf olt, %broadcast_in_dim3A_101, %select_n3A_85 : vector<512x1xf32>
    %select_n3A_117 = arith.select %lt3A_116, %broadcast_in_dim3A_101, %select_n3A_85 : vector<512x1xi1>, vector<512x1xf32>
    %select_n3A_118 = arith.select %lt3A_116, %broadcast_in_dim3A_115, %select_n3A_86 : vector<512x1xi1>, vector<512x1xi32>
    %get3A_119 = arith.constant 0 : index
    %get3A_120 = arith.constant 1536 : index
    %get3A_121 = vector.load %arg7[%get3A_119, %get3A_120] : memref<256x8192xbf16, #tpu.memory_space<vmem>>, vector<256x512xbf16>
    %dot_general3A_122 = arith.constant dense<0.000000e+00> : vector<512x512xf32>
    %dot_general3A_123 = tpu.matmul %convert_element_type3A_30, %get3A_121, %dot_general3A_122 {dimension_numbers = #tpu.dot_dimension_numbers<[1], [0], [0], [1], [0, 0, 1, 1], [], []>, transpose_lhs_hint = false} : vector<512x256xbf16>, vector<256x512xbf16>, vector<512x512xf32> -> vector<512x512xf32>
    %get3A_124 = arith.constant 0 : index
    %get3A_125 = arith.constant 1536 : index
    %get3A_126 = vector.load %arg10[%get3A_124, %get3A_125] : memref<1x8192xf32, #tpu.memory_space<vmem>>, vector<1x512xf32>
    %add3A_127 = vector.broadcast %broadcast_in_dim3A : vector<512x1xf32> to vector<512x512xf32>
    %add3A_128 = vector.broadcast %get3A_126 : vector<1x512xf32> to vector<512x512xf32>
    %add3A_129 = arith.addf %add3A_127, %add3A_128 : vector<512x512xf32>
    %add3A_130 = arith.addf %add3A_129, %dot_general3A_123 : vector<512x512xf32>
    %reduce_min3A_131 = arith.constant dense<0x7F800000> : vector<512xf32>
    %reduce_min3A_132 = vector.multi_reduction <minimumf>, %add3A_130, %reduce_min3A_131 [1] : vector<512x512xf32> to vector<512xf32>
    %broadcast_in_dim3A_133 = vector.shape_cast %reduce_min3A_132 : vector<512xf32> to vector<512x1xf32>
    %iota3A_134 = tpu.iota {dimensions = array<i32: 1>} : vector<1x512xi32>
    %add3A_135 = arith.constant 1536 : i32
    %add3A_136 = vector.broadcast %add3A_135 : i32 to vector<1x512xi32>
    %add3A_137 = arith.addi %iota3A_134, %add3A_136 : vector<1x512xi32>
    %eq3A_138 = vector.broadcast %broadcast_in_dim3A_133 : vector<512x1xf32> to vector<512x512xf32>
    %eq3A_139 = arith.cmpf oeq, %add3A_130, %eq3A_138 : vector<512x512xf32>
    %jit3A_140 = arith.constant 8192 : i32
    %broadcast_in_dim3A_141 = vector.shape_cast %add3A_137 : vector<1x512xi32> to vector<1x512xi32>
    %broadcast_in_dim3A_142 = vector.broadcast %broadcast_in_dim3A_141 : vector<1x512xi32> to vector<512x512xi32>
    %broadcast_in_dim3A_143 = vector.broadcast %jit3A_140 : i32 to vector<512x512xi32>
    %select_n3A_144 = arith.select %eq3A_139, %broadcast_in_dim3A_142, %broadcast_in_dim3A_143 : vector<512x512xi1>, vector<512x512xi32>
    %reduce_min3A_145 = arith.constant dense<2147483647> : vector<512xi32>
    %reduce_min3A_146 = vector.multi_reduction <minsi>, %select_n3A_144, %reduce_min3A_145 [1] : vector<512x512xi32> to vector<512xi32>
    %broadcast_in_dim3A_147 = vector.shape_cast %reduce_min3A_146 : vector<512xi32> to vector<512x1xi32>
    %lt3A_148 = arith.cmpf olt, %broadcast_in_dim3A_133, %select_n3A_117 : vector<512x1xf32>
    %select_n3A_149 = arith.select %lt3A_148, %broadcast_in_dim3A_133, %select_n3A_117 : vector<512x1xi1>, vector<512x1xf32>
    %select_n3A_150 = arith.select %lt3A_148, %broadcast_in_dim3A_147, %select_n3A_118 : vector<512x1xi1>, vector<512x1xi32>
    %get3A_151 = arith.constant 0 : index
    %get3A_152 = arith.constant 2048 : index
    %get3A_153 = vector.load %arg7[%get3A_151, %get3A_152] : memref<256x8192xbf16, #tpu.memory_space<vmem>>, vector<256x512xbf16>
    %dot_general3A_154 = arith.constant dense<0.000000e+00> : vector<512x512xf32>
    %dot_general3A_155 = tpu.matmul %convert_element_type3A_30, %get3A_153, %dot_general3A_154 {dimension_numbers = #tpu.dot_dimension_numbers<[1], [0], [0], [1], [0, 0, 1, 1], [], []>, transpose_lhs_hint = false} : vector<512x256xbf16>, vector<256x512xbf16>, vector<512x512xf32> -> vector<512x512xf32>
    %get3A_156 = arith.constant 0 : index
    %get3A_157 = arith.constant 2048 : index
    %get3A_158 = vector.load %arg10[%get3A_156, %get3A_157] : memref<1x8192xf32, #tpu.memory_space<vmem>>, vector<1x512xf32>
    %add3A_159 = vector.broadcast %broadcast_in_dim3A : vector<512x1xf32> to vector<512x512xf32>
    %add3A_160 = vector.broadcast %get3A_158 : vector<1x512xf32> to vector<512x512xf32>
    %add3A_161 = arith.addf %add3A_159, %add3A_160 : vector<512x512xf32>
    %add3A_162 = arith.addf %add3A_161, %dot_general3A_155 : vector<512x512xf32>
    %reduce_min3A_163 = arith.constant dense<0x7F800000> : vector<512xf32>
    %reduce_min3A_164 = vector.multi_reduction <minimumf>, %add3A_162, %reduce_min3A_163 [1] : vector<512x512xf32> to vector<512xf32>
    %broadcast_in_dim3A_165 = vector.shape_cast %reduce_min3A_164 : vector<512xf32> to vector<512x1xf32>
    %iota3A_166 = tpu.iota {dimensions = array<i32: 1>} : vector<1x512xi32>
    %add3A_167 = arith.constant 2048 : i32
    %add3A_168 = vector.broadcast %add3A_167 : i32 to vector<1x512xi32>
    %add3A_169 = arith.addi %iota3A_166, %add3A_168 : vector<1x512xi32>
    %eq3A_170 = vector.broadcast %broadcast_in_dim3A_165 : vector<512x1xf32> to vector<512x512xf32>
    %eq3A_171 = arith.cmpf oeq, %add3A_162, %eq3A_170 : vector<512x512xf32>
    %jit3A_172 = arith.constant 8192 : i32
    %broadcast_in_dim3A_173 = vector.shape_cast %add3A_169 : vector<1x512xi32> to vector<1x512xi32>
    %broadcast_in_dim3A_174 = vector.broadcast %broadcast_in_dim3A_173 : vector<1x512xi32> to vector<512x512xi32>
    %broadcast_in_dim3A_175 = vector.broadcast %jit3A_172 : i32 to vector<512x512xi32>
    %select_n3A_176 = arith.select %eq3A_171, %broadcast_in_dim3A_174, %broadcast_in_dim3A_175 : vector<512x512xi1>, vector<512x512xi32>
    %reduce_min3A_177 = arith.constant dense<2147483647> : vector<512xi32>
    %reduce_min3A_178 = vector.multi_reduction <minsi>, %select_n3A_176, %reduce_min3A_177 [1] : vector<512x512xi32> to vector<512xi32>
    %broadcast_in_dim3A_179 = vector.shape_cast %reduce_min3A_178 : vector<512xi32> to vector<512x1xi32>
    %lt3A_180 = arith.cmpf olt, %broadcast_in_dim3A_165, %select_n3A_149 : vector<512x1xf32>
    %select_n3A_181 = arith.select %lt3A_180, %broadcast_in_dim3A_165, %select_n3A_149 : vector<512x1xi1>, vector<512x1xf32>
    %select_n3A_182 = arith.select %lt3A_180, %broadcast_in_dim3A_179, %select_n3A_150 : vector<512x1xi1>, vector<512x1xi32>
    %get3A_183 = arith.constant 0 : index
    %get3A_184 = arith.constant 2560 : index
    %get3A_185 = vector.load %arg7[%get3A_183, %get3A_184] : memref<256x8192xbf16, #tpu.memory_space<vmem>>, vector<256x512xbf16>
    %dot_general3A_186 = arith.constant dense<0.000000e+00> : vector<512x512xf32>
    %dot_general3A_187 = tpu.matmul %convert_element_type3A_30, %get3A_185, %dot_general3A_186 {dimension_numbers = #tpu.dot_dimension_numbers<[1], [0], [0], [1], [0, 0, 1, 1], [], []>, transpose_lhs_hint = false} : vector<512x256xbf16>, vector<256x512xbf16>, vector<512x512xf32> -> vector<512x512xf32>
    %get3A_188 = arith.constant 0 : index
    %get3A_189 = arith.constant 2560 : index
    %get3A_190 = vector.load %arg10[%get3A_188, %get3A_189] : memref<1x8192xf32, #tpu.memory_space<vmem>>, vector<1x512xf32>
    %add3A_191 = vector.broadcast %broadcast_in_dim3A : vector<512x1xf32> to vector<512x512xf32>
    %add3A_192 = vector.broadcast %get3A_190 : vector<1x512xf32> to vector<512x512xf32>
    %add3A_193 = arith.addf %add3A_191, %add3A_192 : vector<512x512xf32>
    %add3A_194 = arith.addf %add3A_193, %dot_general3A_187 : vector<512x512xf32>
    %reduce_min3A_195 = arith.constant dense<0x7F800000> : vector<512xf32>
    %reduce_min3A_196 = vector.multi_reduction <minimumf>, %add3A_194, %reduce_min3A_195 [1] : vector<512x512xf32> to vector<512xf32>
    %broadcast_in_dim3A_197 = vector.shape_cast %reduce_min3A_196 : vector<512xf32> to vector<512x1xf32>
    %iota3A_198 = tpu.iota {dimensions = array<i32: 1>} : vector<1x512xi32>
    %add3A_199 = arith.constant 2560 : i32
    %add3A_200 = vector.broadcast %add3A_199 : i32 to vector<1x512xi32>
    %add3A_201 = arith.addi %iota3A_198, %add3A_200 : vector<1x512xi32>
    %eq3A_202 = vector.broadcast %broadcast_in_dim3A_197 : vector<512x1xf32> to vector<512x512xf32>
    %eq3A_203 = arith.cmpf oeq, %add3A_194, %eq3A_202 : vector<512x512xf32>
    %jit3A_204 = arith.constant 8192 : i32
    %broadcast_in_dim3A_205 = vector.shape_cast %add3A_201 : vector<1x512xi32> to vector<1x512xi32>
    %broadcast_in_dim3A_206 = vector.broadcast %broadcast_in_dim3A_205 : vector<1x512xi32> to vector<512x512xi32>
    %broadcast_in_dim3A_207 = vector.broadcast %jit3A_204 : i32 to vector<512x512xi32>
    %select_n3A_208 = arith.select %eq3A_203, %broadcast_in_dim3A_206, %broadcast_in_dim3A_207 : vector<512x512xi1>, vector<512x512xi32>
    %reduce_min3A_209 = arith.constant dense<2147483647> : vector<512xi32>
    %reduce_min3A_210 = vector.multi_reduction <minsi>, %select_n3A_208, %reduce_min3A_209 [1] : vector<512x512xi32> to vector<512xi32>
    %broadcast_in_dim3A_211 = vector.shape_cast %reduce_min3A_210 : vector<512xi32> to vector<512x1xi32>
    %lt3A_212 = arith.cmpf olt, %broadcast_in_dim3A_197, %select_n3A_181 : vector<512x1xf32>
    %select_n3A_213 = arith.select %lt3A_212, %broadcast_in_dim3A_197, %select_n3A_181 : vector<512x1xi1>, vector<512x1xf32>
    %select_n3A_214 = arith.select %lt3A_212, %broadcast_in_dim3A_211, %select_n3A_182 : vector<512x1xi1>, vector<512x1xi32>
    %get3A_215 = arith.constant 0 : index
    %get3A_216 = arith.constant 3072 : index
    %get3A_217 = vector.load %arg7[%get3A_215, %get3A_216] : memref<256x8192xbf16, #tpu.memory_space<vmem>>, vector<256x512xbf16>
    %dot_general3A_218 = arith.constant dense<0.000000e+00> : vector<512x512xf32>
    %dot_general3A_219 = tpu.matmul %convert_element_type3A_30, %get3A_217, %dot_general3A_218 {dimension_numbers = #tpu.dot_dimension_numbers<[1], [0], [0], [1], [0, 0, 1, 1], [], []>, transpose_lhs_hint = false} : vector<512x256xbf16>, vector<256x512xbf16>, vector<512x512xf32> -> vector<512x512xf32>
    %get3A_220 = arith.constant 0 : index
    %get3A_221 = arith.constant 3072 : index
    %get3A_222 = vector.load %arg10[%get3A_220, %get3A_221] : memref<1x8192xf32, #tpu.memory_space<vmem>>, vector<1x512xf32>
    %add3A_223 = vector.broadcast %broadcast_in_dim3A : vector<512x1xf32> to vector<512x512xf32>
    %add3A_224 = vector.broadcast %get3A_222 : vector<1x512xf32> to vector<512x512xf32>
    %add3A_225 = arith.addf %add3A_223, %add3A_224 : vector<512x512xf32>
    %add3A_226 = arith.addf %add3A_225, %dot_general3A_219 : vector<512x512xf32>
    %reduce_min3A_227 = arith.constant dense<0x7F800000> : vector<512xf32>
    %reduce_min3A_228 = vector.multi_reduction <minimumf>, %add3A_226, %reduce_min3A_227 [1] : vector<512x512xf32> to vector<512xf32>
    %broadcast_in_dim3A_229 = vector.shape_cast %reduce_min3A_228 : vector<512xf32> to vector<512x1xf32>
    %iota3A_230 = tpu.iota {dimensions = array<i32: 1>} : vector<1x512xi32>
    %add3A_231 = arith.constant 3072 : i32
    %add3A_232 = vector.broadcast %add3A_231 : i32 to vector<1x512xi32>
    %add3A_233 = arith.addi %iota3A_230, %add3A_232 : vector<1x512xi32>
    %eq3A_234 = vector.broadcast %broadcast_in_dim3A_229 : vector<512x1xf32> to vector<512x512xf32>
    %eq3A_235 = arith.cmpf oeq, %add3A_226, %eq3A_234 : vector<512x512xf32>
    %jit3A_236 = arith.constant 8192 : i32
    %broadcast_in_dim3A_237 = vector.shape_cast %add3A_233 : vector<1x512xi32> to vector<1x512xi32>
    %broadcast_in_dim3A_238 = vector.broadcast %broadcast_in_dim3A_237 : vector<1x512xi32> to vector<512x512xi32>
    %broadcast_in_dim3A_239 = vector.broadcast %jit3A_236 : i32 to vector<512x512xi32>
    %select_n3A_240 = arith.select %eq3A_235, %broadcast_in_dim3A_238, %broadcast_in_dim3A_239 : vector<512x512xi1>, vector<512x512xi32>
    %reduce_min3A_241 = arith.constant dense<2147483647> : vector<512xi32>
    %reduce_min3A_242 = vector.multi_reduction <minsi>, %select_n3A_240, %reduce_min3A_241 [1] : vector<512x512xi32> to vector<512xi32>
    %broadcast_in_dim3A_243 = vector.shape_cast %reduce_min3A_242 : vector<512xi32> to vector<512x1xi32>
    %lt3A_244 = arith.cmpf olt, %broadcast_in_dim3A_229, %select_n3A_213 : vector<512x1xf32>
    %select_n3A_245 = arith.select %lt3A_244, %broadcast_in_dim3A_229, %select_n3A_213 : vector<512x1xi1>, vector<512x1xf32>
    %select_n3A_246 = arith.select %lt3A_244, %broadcast_in_dim3A_243, %select_n3A_214 : vector<512x1xi1>, vector<512x1xi32>
    %get3A_247 = arith.constant 0 : index
    %get3A_248 = arith.constant 3584 : index
    %get3A_249 = vector.load %arg7[%get3A_247, %get3A_248] : memref<256x8192xbf16, #tpu.memory_space<vmem>>, vector<256x512xbf16>
    %dot_general3A_250 = arith.constant dense<0.000000e+00> : vector<512x512xf32>
    %dot_general3A_251 = tpu.matmul %convert_element_type3A_30, %get3A_249, %dot_general3A_250 {dimension_numbers = #tpu.dot_dimension_numbers<[1], [0], [0], [1], [0, 0, 1, 1], [], []>, transpose_lhs_hint = false} : vector<512x256xbf16>, vector<256x512xbf16>, vector<512x512xf32> -> vector<512x512xf32>
    %get3A_252 = arith.constant 0 : index
    %get3A_253 = arith.constant 3584 : index
    %get3A_254 = vector.load %arg10[%get3A_252, %get3A_253] : memref<1x8192xf32, #tpu.memory_space<vmem>>, vector<1x512xf32>
    %add3A_255 = vector.broadcast %broadcast_in_dim3A : vector<512x1xf32> to vector<512x512xf32>
    %add3A_256 = vector.broadcast %get3A_254 : vector<1x512xf32> to vector<512x512xf32>
    %add3A_257 = arith.addf %add3A_255, %add3A_256 : vector<512x512xf32>
    %add3A_258 = arith.addf %add3A_257, %dot_general3A_251 : vector<512x512xf32>
    %reduce_min3A_259 = arith.constant dense<0x7F800000> : vector<512xf32>
    %reduce_min3A_260 = vector.multi_reduction <minimumf>, %add3A_258, %reduce_min3A_259 [1] : vector<512x512xf32> to vector<512xf32>
    %broadcast_in_dim3A_261 = vector.shape_cast %reduce_min3A_260 : vector<512xf32> to vector<512x1xf32>
    %iota3A_262 = tpu.iota {dimensions = array<i32: 1>} : vector<1x512xi32>
    %add3A_263 = arith.constant 3584 : i32
    %add3A_264 = vector.broadcast %add3A_263 : i32 to vector<1x512xi32>
    %add3A_265 = arith.addi %iota3A_262, %add3A_264 : vector<1x512xi32>
    %eq3A_266 = vector.broadcast %broadcast_in_dim3A_261 : vector<512x1xf32> to vector<512x512xf32>
    %eq3A_267 = arith.cmpf oeq, %add3A_258, %eq3A_266 : vector<512x512xf32>
    %jit3A_268 = arith.constant 8192 : i32
    %broadcast_in_dim3A_269 = vector.shape_cast %add3A_265 : vector<1x512xi32> to vector<1x512xi32>
    %broadcast_in_dim3A_270 = vector.broadcast %broadcast_in_dim3A_269 : vector<1x512xi32> to vector<512x512xi32>
    %broadcast_in_dim3A_271 = vector.broadcast %jit3A_268 : i32 to vector<512x512xi32>
    %select_n3A_272 = arith.select %eq3A_267, %broadcast_in_dim3A_270, %broadcast_in_dim3A_271 : vector<512x512xi1>, vector<512x512xi32>
    %reduce_min3A_273 = arith.constant dense<2147483647> : vector<512xi32>
    %reduce_min3A_274 = vector.multi_reduction <minsi>, %select_n3A_272, %reduce_min3A_273 [1] : vector<512x512xi32> to vector<512xi32>
    %broadcast_in_dim3A_275 = vector.shape_cast %reduce_min3A_274 : vector<512xi32> to vector<512x1xi32>
    %lt3A_276 = arith.cmpf olt, %broadcast_in_dim3A_261, %select_n3A_245 : vector<512x1xf32>
    %select_n3A_277 = arith.select %lt3A_276, %broadcast_in_dim3A_261, %select_n3A_245 : vector<512x1xi1>, vector<512x1xf32>
    %select_n3A_278 = arith.select %lt3A_276, %broadcast_in_dim3A_275, %select_n3A_246 : vector<512x1xi1>, vector<512x1xi32>
    %get3A_279 = arith.constant 0 : index
    %get3A_280 = arith.constant 4096 : index
    %get3A_281 = vector.load %arg7[%get3A_279, %get3A_280] : memref<256x8192xbf16, #tpu.memory_space<vmem>>, vector<256x512xbf16>
    %dot_general3A_282 = arith.constant dense<0.000000e+00> : vector<512x512xf32>
    %dot_general3A_283 = tpu.matmul %convert_element_type3A_30, %get3A_281, %dot_general3A_282 {dimension_numbers = #tpu.dot_dimension_numbers<[1], [0], [0], [1], [0, 0, 1, 1], [], []>, transpose_lhs_hint = false} : vector<512x256xbf16>, vector<256x512xbf16>, vector<512x512xf32> -> vector<512x512xf32>
    %get3A_284 = arith.constant 0 : index
    %get3A_285 = arith.constant 4096 : index
    %get3A_286 = vector.load %arg10[%get3A_284, %get3A_285] : memref<1x8192xf32, #tpu.memory_space<vmem>>, vector<1x512xf32>
    %add3A_287 = vector.broadcast %broadcast_in_dim3A : vector<512x1xf32> to vector<512x512xf32>
    %add3A_288 = vector.broadcast %get3A_286 : vector<1x512xf32> to vector<512x512xf32>
    %add3A_289 = arith.addf %add3A_287, %add3A_288 : vector<512x512xf32>
    %add3A_290 = arith.addf %add3A_289, %dot_general3A_283 : vector<512x512xf32>
    %reduce_min3A_291 = arith.constant dense<0x7F800000> : vector<512xf32>
    %reduce_min3A_292 = vector.multi_reduction <minimumf>, %add3A_290, %reduce_min3A_291 [1] : vector<512x512xf32> to vector<512xf32>
    %broadcast_in_dim3A_293 = vector.shape_cast %reduce_min3A_292 : vector<512xf32> to vector<512x1xf32>
    %iota3A_294 = tpu.iota {dimensions = array<i32: 1>} : vector<1x512xi32>
    %add3A_295 = arith.constant 4096 : i32
    %add3A_296 = vector.broadcast %add3A_295 : i32 to vector<1x512xi32>
    %add3A_297 = arith.addi %iota3A_294, %add3A_296 : vector<1x512xi32>
    %eq3A_298 = vector.broadcast %broadcast_in_dim3A_293 : vector<512x1xf32> to vector<512x512xf32>
    %eq3A_299 = arith.cmpf oeq, %add3A_290, %eq3A_298 : vector<512x512xf32>
    %jit3A_300 = arith.constant 8192 : i32
    %broadcast_in_dim3A_301 = vector.shape_cast %add3A_297 : vector<1x512xi32> to vector<1x512xi32>
    %broadcast_in_dim3A_302 = vector.broadcast %broadcast_in_dim3A_301 : vector<1x512xi32> to vector<512x512xi32>
    %broadcast_in_dim3A_303 = vector.broadcast %jit3A_300 : i32 to vector<512x512xi32>
    %select_n3A_304 = arith.select %eq3A_299, %broadcast_in_dim3A_302, %broadcast_in_dim3A_303 : vector<512x512xi1>, vector<512x512xi32>
    %reduce_min3A_305 = arith.constant dense<2147483647> : vector<512xi32>
    %reduce_min3A_306 = vector.multi_reduction <minsi>, %select_n3A_304, %reduce_min3A_305 [1] : vector<512x512xi32> to vector<512xi32>
    %broadcast_in_dim3A_307 = vector.shape_cast %reduce_min3A_306 : vector<512xi32> to vector<512x1xi32>
    %lt3A_308 = arith.cmpf olt, %broadcast_in_dim3A_293, %select_n3A_277 : vector<512x1xf32>
    %select_n3A_309 = arith.select %lt3A_308, %broadcast_in_dim3A_293, %select_n3A_277 : vector<512x1xi1>, vector<512x1xf32>
    %select_n3A_310 = arith.select %lt3A_308, %broadcast_in_dim3A_307, %select_n3A_278 : vector<512x1xi1>, vector<512x1xi32>
    %get3A_311 = arith.constant 0 : index
    %get3A_312 = arith.constant 4608 : index
    %get3A_313 = vector.load %arg7[%get3A_311, %get3A_312] : memref<256x8192xbf16, #tpu.memory_space<vmem>>, vector<256x512xbf16>
    %dot_general3A_314 = arith.constant dense<0.000000e+00> : vector<512x512xf32>
    %dot_general3A_315 = tpu.matmul %convert_element_type3A_30, %get3A_313, %dot_general3A_314 {dimension_numbers = #tpu.dot_dimension_numbers<[1], [0], [0], [1], [0, 0, 1, 1], [], []>, transpose_lhs_hint = false} : vector<512x256xbf16>, vector<256x512xbf16>, vector<512x512xf32> -> vector<512x512xf32>
    %get3A_316 = arith.constant 0 : index
    %get3A_317 = arith.constant 4608 : index
    %get3A_318 = vector.load %arg10[%get3A_316, %get3A_317] : memref<1x8192xf32, #tpu.memory_space<vmem>>, vector<1x512xf32>
    %add3A_319 = vector.broadcast %broadcast_in_dim3A : vector<512x1xf32> to vector<512x512xf32>
    %add3A_320 = vector.broadcast %get3A_318 : vector<1x512xf32> to vector<512x512xf32>
    %add3A_321 = arith.addf %add3A_319, %add3A_320 : vector<512x512xf32>
    %add3A_322 = arith.addf %add3A_321, %dot_general3A_315 : vector<512x512xf32>
    %reduce_min3A_323 = arith.constant dense<0x7F800000> : vector<512xf32>
    %reduce_min3A_324 = vector.multi_reduction <minimumf>, %add3A_322, %reduce_min3A_323 [1] : vector<512x512xf32> to vector<512xf32>
    %broadcast_in_dim3A_325 = vector.shape_cast %reduce_min3A_324 : vector<512xf32> to vector<512x1xf32>
    %iota3A_326 = tpu.iota {dimensions = array<i32: 1>} : vector<1x512xi32>
    %add3A_327 = arith.constant 4608 : i32
    %add3A_328 = vector.broadcast %add3A_327 : i32 to vector<1x512xi32>
    %add3A_329 = arith.addi %iota3A_326, %add3A_328 : vector<1x512xi32>
    %eq3A_330 = vector.broadcast %broadcast_in_dim3A_325 : vector<512x1xf32> to vector<512x512xf32>
    %eq3A_331 = arith.cmpf oeq, %add3A_322, %eq3A_330 : vector<512x512xf32>
    %jit3A_332 = arith.constant 8192 : i32
    %broadcast_in_dim3A_333 = vector.shape_cast %add3A_329 : vector<1x512xi32> to vector<1x512xi32>
    %broadcast_in_dim3A_334 = vector.broadcast %broadcast_in_dim3A_333 : vector<1x512xi32> to vector<512x512xi32>
    %broadcast_in_dim3A_335 = vector.broadcast %jit3A_332 : i32 to vector<512x512xi32>
    %select_n3A_336 = arith.select %eq3A_331, %broadcast_in_dim3A_334, %broadcast_in_dim3A_335 : vector<512x512xi1>, vector<512x512xi32>
    %reduce_min3A_337 = arith.constant dense<2147483647> : vector<512xi32>
    %reduce_min3A_338 = vector.multi_reduction <minsi>, %select_n3A_336, %reduce_min3A_337 [1] : vector<512x512xi32> to vector<512xi32>
    %broadcast_in_dim3A_339 = vector.shape_cast %reduce_min3A_338 : vector<512xi32> to vector<512x1xi32>
    %lt3A_340 = arith.cmpf olt, %broadcast_in_dim3A_325, %select_n3A_309 : vector<512x1xf32>
    %select_n3A_341 = arith.select %lt3A_340, %broadcast_in_dim3A_325, %select_n3A_309 : vector<512x1xi1>, vector<512x1xf32>
    %select_n3A_342 = arith.select %lt3A_340, %broadcast_in_dim3A_339, %select_n3A_310 : vector<512x1xi1>, vector<512x1xi32>
    %get3A_343 = arith.constant 0 : index
    %get3A_344 = arith.constant 5120 : index
    %get3A_345 = vector.load %arg7[%get3A_343, %get3A_344] : memref<256x8192xbf16, #tpu.memory_space<vmem>>, vector<256x512xbf16>
    %dot_general3A_346 = arith.constant dense<0.000000e+00> : vector<512x512xf32>
    %dot_general3A_347 = tpu.matmul %convert_element_type3A_30, %get3A_345, %dot_general3A_346 {dimension_numbers = #tpu.dot_dimension_numbers<[1], [0], [0], [1], [0, 0, 1, 1], [], []>, transpose_lhs_hint = false} : vector<512x256xbf16>, vector<256x512xbf16>, vector<512x512xf32> -> vector<512x512xf32>
    %get3A_348 = arith.constant 0 : index
    %get3A_349 = arith.constant 5120 : index
    %get3A_350 = vector.load %arg10[%get3A_348, %get3A_349] : memref<1x8192xf32, #tpu.memory_space<vmem>>, vector<1x512xf32>
    %add3A_351 = vector.broadcast %broadcast_in_dim3A : vector<512x1xf32> to vector<512x512xf32>
    %add3A_352 = vector.broadcast %get3A_350 : vector<1x512xf32> to vector<512x512xf32>
    %add3A_353 = arith.addf %add3A_351, %add3A_352 : vector<512x512xf32>
    %add3A_354 = arith.addf %add3A_353, %dot_general3A_347 : vector<512x512xf32>
    %reduce_min3A_355 = arith.constant dense<0x7F800000> : vector<512xf32>
    %reduce_min3A_356 = vector.multi_reduction <minimumf>, %add3A_354, %reduce_min3A_355 [1] : vector<512x512xf32> to vector<512xf32>
    %broadcast_in_dim3A_357 = vector.shape_cast %reduce_min3A_356 : vector<512xf32> to vector<512x1xf32>
    %iota3A_358 = tpu.iota {dimensions = array<i32: 1>} : vector<1x512xi32>
    %add3A_359 = arith.constant 5120 : i32
    %add3A_360 = vector.broadcast %add3A_359 : i32 to vector<1x512xi32>
    %add3A_361 = arith.addi %iota3A_358, %add3A_360 : vector<1x512xi32>
    %eq3A_362 = vector.broadcast %broadcast_in_dim3A_357 : vector<512x1xf32> to vector<512x512xf32>
    %eq3A_363 = arith.cmpf oeq, %add3A_354, %eq3A_362 : vector<512x512xf32>
    %jit3A_364 = arith.constant 8192 : i32
    %broadcast_in_dim3A_365 = vector.shape_cast %add3A_361 : vector<1x512xi32> to vector<1x512xi32>
    %broadcast_in_dim3A_366 = vector.broadcast %broadcast_in_dim3A_365 : vector<1x512xi32> to vector<512x512xi32>
    %broadcast_in_dim3A_367 = vector.broadcast %jit3A_364 : i32 to vector<512x512xi32>
    %select_n3A_368 = arith.select %eq3A_363, %broadcast_in_dim3A_366, %broadcast_in_dim3A_367 : vector<512x512xi1>, vector<512x512xi32>
    %reduce_min3A_369 = arith.constant dense<2147483647> : vector<512xi32>
    %reduce_min3A_370 = vector.multi_reduction <minsi>, %select_n3A_368, %reduce_min3A_369 [1] : vector<512x512xi32> to vector<512xi32>
    %broadcast_in_dim3A_371 = vector.shape_cast %reduce_min3A_370 : vector<512xi32> to vector<512x1xi32>
    %lt3A_372 = arith.cmpf olt, %broadcast_in_dim3A_357, %select_n3A_341 : vector<512x1xf32>
    %select_n3A_373 = arith.select %lt3A_372, %broadcast_in_dim3A_357, %select_n3A_341 : vector<512x1xi1>, vector<512x1xf32>
    %select_n3A_374 = arith.select %lt3A_372, %broadcast_in_dim3A_371, %select_n3A_342 : vector<512x1xi1>, vector<512x1xi32>
    %get3A_375 = arith.constant 0 : index
    %get3A_376 = arith.constant 5632 : index
    %get3A_377 = vector.load %arg7[%get3A_375, %get3A_376] : memref<256x8192xbf16, #tpu.memory_space<vmem>>, vector<256x512xbf16>
    %dot_general3A_378 = arith.constant dense<0.000000e+00> : vector<512x512xf32>
    %dot_general3A_379 = tpu.matmul %convert_element_type3A_30, %get3A_377, %dot_general3A_378 {dimension_numbers = #tpu.dot_dimension_numbers<[1], [0], [0], [1], [0, 0, 1, 1], [], []>, transpose_lhs_hint = false} : vector<512x256xbf16>, vector<256x512xbf16>, vector<512x512xf32> -> vector<512x512xf32>
    %get3A_380 = arith.constant 0 : index
    %get3A_381 = arith.constant 5632 : index
    %get3A_382 = vector.load %arg10[%get3A_380, %get3A_381] : memref<1x8192xf32, #tpu.memory_space<vmem>>, vector<1x512xf32>
    %add3A_383 = vector.broadcast %broadcast_in_dim3A : vector<512x1xf32> to vector<512x512xf32>
    %add3A_384 = vector.broadcast %get3A_382 : vector<1x512xf32> to vector<512x512xf32>
    %add3A_385 = arith.addf %add3A_383, %add3A_384 : vector<512x512xf32>
    %add3A_386 = arith.addf %add3A_385, %dot_general3A_379 : vector<512x512xf32>
    %reduce_min3A_387 = arith.constant dense<0x7F800000> : vector<512xf32>
    %reduce_min3A_388 = vector.multi_reduction <minimumf>, %add3A_386, %reduce_min3A_387 [1] : vector<512x512xf32> to vector<512xf32>
    %broadcast_in_dim3A_389 = vector.shape_cast %reduce_min3A_388 : vector<512xf32> to vector<512x1xf32>
    %iota3A_390 = tpu.iota {dimensions = array<i32: 1>} : vector<1x512xi32>
    %add3A_391 = arith.constant 5632 : i32
    %add3A_392 = vector.broadcast %add3A_391 : i32 to vector<1x512xi32>
    %add3A_393 = arith.addi %iota3A_390, %add3A_392 : vector<1x512xi32>
    %eq3A_394 = vector.broadcast %broadcast_in_dim3A_389 : vector<512x1xf32> to vector<512x512xf32>
    %eq3A_395 = arith.cmpf oeq, %add3A_386, %eq3A_394 : vector<512x512xf32>
    %jit3A_396 = arith.constant 8192 : i32
    %broadcast_in_dim3A_397 = vector.shape_cast %add3A_393 : vector<1x512xi32> to vector<1x512xi32>
    %broadcast_in_dim3A_398 = vector.broadcast %broadcast_in_dim3A_397 : vector<1x512xi32> to vector<512x512xi32>
    %broadcast_in_dim3A_399 = vector.broadcast %jit3A_396 : i32 to vector<512x512xi32>
    %select_n3A_400 = arith.select %eq3A_395, %broadcast_in_dim3A_398, %broadcast_in_dim3A_399 : vector<512x512xi1>, vector<512x512xi32>
    %reduce_min3A_401 = arith.constant dense<2147483647> : vector<512xi32>
    %reduce_min3A_402 = vector.multi_reduction <minsi>, %select_n3A_400, %reduce_min3A_401 [1] : vector<512x512xi32> to vector<512xi32>
    %broadcast_in_dim3A_403 = vector.shape_cast %reduce_min3A_402 : vector<512xi32> to vector<512x1xi32>
    %lt3A_404 = arith.cmpf olt, %broadcast_in_dim3A_389, %select_n3A_373 : vector<512x1xf32>
    %select_n3A_405 = arith.select %lt3A_404, %broadcast_in_dim3A_389, %select_n3A_373 : vector<512x1xi1>, vector<512x1xf32>
    %select_n3A_406 = arith.select %lt3A_404, %broadcast_in_dim3A_403, %select_n3A_374 : vector<512x1xi1>, vector<512x1xi32>
    %get3A_407 = arith.constant 0 : index
    %get3A_408 = arith.constant 6144 : index
    %get3A_409 = vector.load %arg7[%get3A_407, %get3A_408] : memref<256x8192xbf16, #tpu.memory_space<vmem>>, vector<256x512xbf16>
    %dot_general3A_410 = arith.constant dense<0.000000e+00> : vector<512x512xf32>
    %dot_general3A_411 = tpu.matmul %convert_element_type3A_30, %get3A_409, %dot_general3A_410 {dimension_numbers = #tpu.dot_dimension_numbers<[1], [0], [0], [1], [0, 0, 1, 1], [], []>, transpose_lhs_hint = false} : vector<512x256xbf16>, vector<256x512xbf16>, vector<512x512xf32> -> vector<512x512xf32>
    %get3A_412 = arith.constant 0 : index
    %get3A_413 = arith.constant 6144 : index
    %get3A_414 = vector.load %arg10[%get3A_412, %get3A_413] : memref<1x8192xf32, #tpu.memory_space<vmem>>, vector<1x512xf32>
    %add3A_415 = vector.broadcast %broadcast_in_dim3A : vector<512x1xf32> to vector<512x512xf32>
    %add3A_416 = vector.broadcast %get3A_414 : vector<1x512xf32> to vector<512x512xf32>
    %add3A_417 = arith.addf %add3A_415, %add3A_416 : vector<512x512xf32>
    %add3A_418 = arith.addf %add3A_417, %dot_general3A_411 : vector<512x512xf32>
    %reduce_min3A_419 = arith.constant dense<0x7F800000> : vector<512xf32>
    %reduce_min3A_420 = vector.multi_reduction <minimumf>, %add3A_418, %reduce_min3A_419 [1] : vector<512x512xf32> to vector<512xf32>
    %broadcast_in_dim3A_421 = vector.shape_cast %reduce_min3A_420 : vector<512xf32> to vector<512x1xf32>
    %iota3A_422 = tpu.iota {dimensions = array<i32: 1>} : vector<1x512xi32>
    %add3A_423 = arith.constant 6144 : i32
    %add3A_424 = vector.broadcast %add3A_423 : i32 to vector<1x512xi32>
    %add3A_425 = arith.addi %iota3A_422, %add3A_424 : vector<1x512xi32>
    %eq3A_426 = vector.broadcast %broadcast_in_dim3A_421 : vector<512x1xf32> to vector<512x512xf32>
    %eq3A_427 = arith.cmpf oeq, %add3A_418, %eq3A_426 : vector<512x512xf32>
    %jit3A_428 = arith.constant 8192 : i32
    %broadcast_in_dim3A_429 = vector.shape_cast %add3A_425 : vector<1x512xi32> to vector<1x512xi32>
    %broadcast_in_dim3A_430 = vector.broadcast %broadcast_in_dim3A_429 : vector<1x512xi32> to vector<512x512xi32>
    %broadcast_in_dim3A_431 = vector.broadcast %jit3A_428 : i32 to vector<512x512xi32>
    %select_n3A_432 = arith.select %eq3A_427, %broadcast_in_dim3A_430, %broadcast_in_dim3A_431 : vector<512x512xi1>, vector<512x512xi32>
    %reduce_min3A_433 = arith.constant dense<2147483647> : vector<512xi32>
    %reduce_min3A_434 = vector.multi_reduction <minsi>, %select_n3A_432, %reduce_min3A_433 [1] : vector<512x512xi32> to vector<512xi32>
    %broadcast_in_dim3A_435 = vector.shape_cast %reduce_min3A_434 : vector<512xi32> to vector<512x1xi32>
    %lt3A_436 = arith.cmpf olt, %broadcast_in_dim3A_421, %select_n3A_405 : vector<512x1xf32>
    %select_n3A_437 = arith.select %lt3A_436, %broadcast_in_dim3A_421, %select_n3A_405 : vector<512x1xi1>, vector<512x1xf32>
    %select_n3A_438 = arith.select %lt3A_436, %broadcast_in_dim3A_435, %select_n3A_406 : vector<512x1xi1>, vector<512x1xi32>
    %get3A_439 = arith.constant 0 : index
    %get3A_440 = arith.constant 6656 : index
    %get3A_441 = vector.load %arg7[%get3A_439, %get3A_440] : memref<256x8192xbf16, #tpu.memory_space<vmem>>, vector<256x512xbf16>
    %dot_general3A_442 = arith.constant dense<0.000000e+00> : vector<512x512xf32>
    %dot_general3A_443 = tpu.matmul %convert_element_type3A_30, %get3A_441, %dot_general3A_442 {dimension_numbers = #tpu.dot_dimension_numbers<[1], [0], [0], [1], [0, 0, 1, 1], [], []>, transpose_lhs_hint = false} : vector<512x256xbf16>, vector<256x512xbf16>, vector<512x512xf32> -> vector<512x512xf32>
    %get3A_444 = arith.constant 0 : index
    %get3A_445 = arith.constant 6656 : index
    %get3A_446 = vector.load %arg10[%get3A_444, %get3A_445] : memref<1x8192xf32, #tpu.memory_space<vmem>>, vector<1x512xf32>
    %add3A_447 = vector.broadcast %broadcast_in_dim3A : vector<512x1xf32> to vector<512x512xf32>
    %add3A_448 = vector.broadcast %get3A_446 : vector<1x512xf32> to vector<512x512xf32>
    %add3A_449 = arith.addf %add3A_447, %add3A_448 : vector<512x512xf32>
    %add3A_450 = arith.addf %add3A_449, %dot_general3A_443 : vector<512x512xf32>
    %reduce_min3A_451 = arith.constant dense<0x7F800000> : vector<512xf32>
    %reduce_min3A_452 = vector.multi_reduction <minimumf>, %add3A_450, %reduce_min3A_451 [1] : vector<512x512xf32> to vector<512xf32>
    %broadcast_in_dim3A_453 = vector.shape_cast %reduce_min3A_452 : vector<512xf32> to vector<512x1xf32>
    %iota3A_454 = tpu.iota {dimensions = array<i32: 1>} : vector<1x512xi32>
    %add3A_455 = arith.constant 6656 : i32
    %add3A_456 = vector.broadcast %add3A_455 : i32 to vector<1x512xi32>
    %add3A_457 = arith.addi %iota3A_454, %add3A_456 : vector<1x512xi32>
    %eq3A_458 = vector.broadcast %broadcast_in_dim3A_453 : vector<512x1xf32> to vector<512x512xf32>
    %eq3A_459 = arith.cmpf oeq, %add3A_450, %eq3A_458 : vector<512x512xf32>
    %jit3A_460 = arith.constant 8192 : i32
    %broadcast_in_dim3A_461 = vector.shape_cast %add3A_457 : vector<1x512xi32> to vector<1x512xi32>
    %broadcast_in_dim3A_462 = vector.broadcast %broadcast_in_dim3A_461 : vector<1x512xi32> to vector<512x512xi32>
    %broadcast_in_dim3A_463 = vector.broadcast %jit3A_460 : i32 to vector<512x512xi32>
    %select_n3A_464 = arith.select %eq3A_459, %broadcast_in_dim3A_462, %broadcast_in_dim3A_463 : vector<512x512xi1>, vector<512x512xi32>
    %reduce_min3A_465 = arith.constant dense<2147483647> : vector<512xi32>
    %reduce_min3A_466 = vector.multi_reduction <minsi>, %select_n3A_464, %reduce_min3A_465 [1] : vector<512x512xi32> to vector<512xi32>
    %broadcast_in_dim3A_467 = vector.shape_cast %reduce_min3A_466 : vector<512xi32> to vector<512x1xi32>
    %lt3A_468 = arith.cmpf olt, %broadcast_in_dim3A_453, %select_n3A_437 : vector<512x1xf32>
    %select_n3A_469 = arith.select %lt3A_468, %broadcast_in_dim3A_453, %select_n3A_437 : vector<512x1xi1>, vector<512x1xf32>
    %select_n3A_470 = arith.select %lt3A_468, %broadcast_in_dim3A_467, %select_n3A_438 : vector<512x1xi1>, vector<512x1xi32>
    %get3A_471 = arith.constant 0 : index
    %get3A_472 = arith.constant 7168 : index
    %get3A_473 = vector.load %arg7[%get3A_471, %get3A_472] : memref<256x8192xbf16, #tpu.memory_space<vmem>>, vector<256x512xbf16>
    %dot_general3A_474 = arith.constant dense<0.000000e+00> : vector<512x512xf32>
    %dot_general3A_475 = tpu.matmul %convert_element_type3A_30, %get3A_473, %dot_general3A_474 {dimension_numbers = #tpu.dot_dimension_numbers<[1], [0], [0], [1], [0, 0, 1, 1], [], []>, transpose_lhs_hint = false} : vector<512x256xbf16>, vector<256x512xbf16>, vector<512x512xf32> -> vector<512x512xf32>
    %get3A_476 = arith.constant 0 : index
    %get3A_477 = arith.constant 7168 : index
    %get3A_478 = vector.load %arg10[%get3A_476, %get3A_477] : memref<1x8192xf32, #tpu.memory_space<vmem>>, vector<1x512xf32>
    %add3A_479 = vector.broadcast %broadcast_in_dim3A : vector<512x1xf32> to vector<512x512xf32>
    %add3A_480 = vector.broadcast %get3A_478 : vector<1x512xf32> to vector<512x512xf32>
    %add3A_481 = arith.addf %add3A_479, %add3A_480 : vector<512x512xf32>
    %add3A_482 = arith.addf %add3A_481, %dot_general3A_475 : vector<512x512xf32>
    %reduce_min3A_483 = arith.constant dense<0x7F800000> : vector<512xf32>
    %reduce_min3A_484 = vector.multi_reduction <minimumf>, %add3A_482, %reduce_min3A_483 [1] : vector<512x512xf32> to vector<512xf32>
    %broadcast_in_dim3A_485 = vector.shape_cast %reduce_min3A_484 : vector<512xf32> to vector<512x1xf32>
    %iota3A_486 = tpu.iota {dimensions = array<i32: 1>} : vector<1x512xi32>
    %add3A_487 = arith.constant 7168 : i32
    %add3A_488 = vector.broadcast %add3A_487 : i32 to vector<1x512xi32>
    %add3A_489 = arith.addi %iota3A_486, %add3A_488 : vector<1x512xi32>
    %eq3A_490 = vector.broadcast %broadcast_in_dim3A_485 : vector<512x1xf32> to vector<512x512xf32>
    %eq3A_491 = arith.cmpf oeq, %add3A_482, %eq3A_490 : vector<512x512xf32>
    %jit3A_492 = arith.constant 8192 : i32
    %broadcast_in_dim3A_493 = vector.shape_cast %add3A_489 : vector<1x512xi32> to vector<1x512xi32>
    %broadcast_in_dim3A_494 = vector.broadcast %broadcast_in_dim3A_493 : vector<1x512xi32> to vector<512x512xi32>
    %broadcast_in_dim3A_495 = vector.broadcast %jit3A_492 : i32 to vector<512x512xi32>
    %select_n3A_496 = arith.select %eq3A_491, %broadcast_in_dim3A_494, %broadcast_in_dim3A_495 : vector<512x512xi1>, vector<512x512xi32>
    %reduce_min3A_497 = arith.constant dense<2147483647> : vector<512xi32>
    %reduce_min3A_498 = vector.multi_reduction <minsi>, %select_n3A_496, %reduce_min3A_497 [1] : vector<512x512xi32> to vector<512xi32>
    %broadcast_in_dim3A_499 = vector.shape_cast %reduce_min3A_498 : vector<512xi32> to vector<512x1xi32>
    %lt3A_500 = arith.cmpf olt, %broadcast_in_dim3A_485, %select_n3A_469 : vector<512x1xf32>
    %select_n3A_501 = arith.select %lt3A_500, %broadcast_in_dim3A_485, %select_n3A_469 : vector<512x1xi1>, vector<512x1xf32>
    %select_n3A_502 = arith.select %lt3A_500, %broadcast_in_dim3A_499, %select_n3A_470 : vector<512x1xi1>, vector<512x1xi32>
    %get3A_503 = arith.constant 0 : index
    %get3A_504 = arith.constant 7680 : index
    %get3A_505 = vector.load %arg7[%get3A_503, %get3A_504] : memref<256x8192xbf16, #tpu.memory_space<vmem>>, vector<256x512xbf16>
    %dot_general3A_506 = arith.constant dense<0.000000e+00> : vector<512x512xf32>
    %dot_general3A_507 = tpu.matmul %convert_element_type3A_30, %get3A_505, %dot_general3A_506 {dimension_numbers = #tpu.dot_dimension_numbers<[1], [0], [0], [1], [0, 0, 1, 1], [], []>, transpose_lhs_hint = false} : vector<512x256xbf16>, vector<256x512xbf16>, vector<512x512xf32> -> vector<512x512xf32>
    %get3A_508 = arith.constant 0 : index
    %get3A_509 = arith.constant 7680 : index
    %get3A_510 = vector.load %arg10[%get3A_508, %get3A_509] : memref<1x8192xf32, #tpu.memory_space<vmem>>, vector<1x512xf32>
    %add3A_511 = vector.broadcast %broadcast_in_dim3A : vector<512x1xf32> to vector<512x512xf32>
    %add3A_512 = vector.broadcast %get3A_510 : vector<1x512xf32> to vector<512x512xf32>
    %add3A_513 = arith.addf %add3A_511, %add3A_512 : vector<512x512xf32>
    %add3A_514 = arith.addf %add3A_513, %dot_general3A_507 : vector<512x512xf32>
    %reduce_min3A_515 = arith.constant dense<0x7F800000> : vector<512xf32>
    %reduce_min3A_516 = vector.multi_reduction <minimumf>, %add3A_514, %reduce_min3A_515 [1] : vector<512x512xf32> to vector<512xf32>
    %broadcast_in_dim3A_517 = vector.shape_cast %reduce_min3A_516 : vector<512xf32> to vector<512x1xf32>
    %iota3A_518 = tpu.iota {dimensions = array<i32: 1>} : vector<1x512xi32>
    %add3A_519 = arith.constant 7680 : i32
    %add3A_520 = vector.broadcast %add3A_519 : i32 to vector<1x512xi32>
    %add3A_521 = arith.addi %iota3A_518, %add3A_520 : vector<1x512xi32>
    %eq3A_522 = vector.broadcast %broadcast_in_dim3A_517 : vector<512x1xf32> to vector<512x512xf32>
    %eq3A_523 = arith.cmpf oeq, %add3A_514, %eq3A_522 : vector<512x512xf32>
    %jit3A_524 = arith.constant 8192 : i32
    %broadcast_in_dim3A_525 = vector.shape_cast %add3A_521 : vector<1x512xi32> to vector<1x512xi32>
    %broadcast_in_dim3A_526 = vector.broadcast %broadcast_in_dim3A_525 : vector<1x512xi32> to vector<512x512xi32>
    %broadcast_in_dim3A_527 = vector.broadcast %jit3A_524 : i32 to vector<512x512xi32>
    %select_n3A_528 = arith.select %eq3A_523, %broadcast_in_dim3A_526, %broadcast_in_dim3A_527 : vector<512x512xi1>, vector<512x512xi32>
    %reduce_min3A_529 = arith.constant dense<2147483647> : vector<512xi32>
    %reduce_min3A_530 = vector.multi_reduction <minsi>, %select_n3A_528, %reduce_min3A_529 [1] : vector<512x512xi32> to vector<512xi32>
    %broadcast_in_dim3A_531 = vector.shape_cast %reduce_min3A_530 : vector<512xi32> to vector<512x1xi32>
    %lt3A_532 = arith.cmpf olt, %broadcast_in_dim3A_517, %select_n3A_501 : vector<512x1xf32>
    %select_n3A_533 = arith.select %lt3A_532, %broadcast_in_dim3A_531, %select_n3A_502 : vector<512x1xi1>, vector<512x1xi32>
    %swap3A = arith.constant 0 : index
    %swap3A_534 = arith.constant 0 : index
    %swap3A_535 = vector.load %arg8[%swap3A, %swap3A_534] : memref<512x256xf32, #tpu.memory_space<vmem>>, vector<512x256xf32>
    tpu.vector_store %arg8[%swap3A, %swap3A_534], %add3A_25 {strides = array<i32>} : memref<512x256xf32, #tpu.memory_space<vmem>>, vector<512x256xf32>,
    %reshape3A = vector.shape_cast %select_n3A_533 : vector<512x1xi32> to vector<512xi32>
    %swap3A_536 = arith.constant 0 : index
    %swap3A_537 = arith.constant 0 : index
    %swap3A_538 = arith.constant 0 : index
    %swap3A_539 = vector.load %arg9[%swap3A_536, %swap3A_537, %swap3A_538] : memref<1x1x512xi32, #tpu.memory_space<vmem>>, vector<1x1x512xi32>
    %swap3A_540 = vector.shape_cast %swap3A_539 : vector<1x1x512xi32> to vector<512xi32>
    %swap3A_541 = vector.shape_cast %reshape3A : vector<512xi32> to vector<1x1x512xi32>
    tpu.vector_store %arg9[%swap3A_536, %swap3A_537, %swap3A_538], %swap3A_541 {strides = array<i32>} : memref<1x1x512xi32, #tpu.memory_space<vmem>>, vector<1x1x512xi32>,
    return
  }
  func.func @transform_0(%arg0: i32) -> (i32, i32) {
    %c0_i32 = arith.constant 0 : i32
    %c0_i32_0 = arith.constant 0 : i32
    return %arg0, %c0_i32 : i32, i32
  }
  func.func @transform_1(%arg0: i32) -> (i32, i32) {
    %c0_i32 = arith.constant 0 : i32
    %c0_i32_0 = arith.constant 0 : i32
    %c0_i32_1 = arith.constant 0 : i32
    return %c0_i32, %c0_i32_0 : i32, i32
  }
  func.func @transform_2(%arg0: i32) -> (i32, i32) {
    %c0_i32 = arith.constant 0 : i32
    %c0_i32_0 = arith.constant 0 : i32
    %c0_i32_1 = arith.constant 0 : i32
    return %c0_i32, %c0_i32_0 : i32, i32
  }
  func.func @transform_3(%arg0: i32) -> (i32, i32) {
    %c0_i32 = arith.constant 0 : i32
    %c0_i32_0 = arith.constant 0 : i32
    %c0_i32_1 = arith.constant 0 : i32
    return %c0_i32, %c0_i32_0 : i32, i32
  }
  func.func @transform_4(%arg0: i32) -> (i32, i32) {
    %c0_i32 = arith.constant 0 : i32
    %c0_i32_0 = arith.constant 0 : i32
    %c0_i32_1 = arith.constant 0 : i32
    return %c0_i32, %c0_i32_0 : i32, i32
  }
  func.func @transform_5(%arg0: i32) -> (i32, i32) {
    %c0_i32 = arith.constant 0 : i32
    %c0_i32_0 = arith.constant 0 : i32
    %c0_i32_1 = arith.constant 0 : i32
    return %c0_i32, %c0_i32_0 : i32, i32
  }
  func.func @transform_6(%arg0: i32) -> (i32, i32) {
    %c0_i32 = arith.constant 0 : i32
    %c0_i32_0 = arith.constant 0 : i32
    %c0_i32_1 = arith.constant 0 : i32
    return %c0_i32, %c0_i32_0 : i32, i32
  }
  func.func @transform_7(%arg0: i32) -> (i32, i32) {
    %c0_i32 = arith.constant 0 : i32
    %c0_i32_0 = arith.constant 0 : i32
    return %arg0, %c0_i32 : i32, i32
  }
  func.func @transform_8(%arg0: i32) -> (i32, i32, i32) {
    %c0_i32 = arith.constant 0 : i32
    %c0_i32_0 = arith.constant 0 : i32
    %c0_i32_1 = arith.constant 0 : i32
    return %arg0, %c0_i32, %c0_i32_0 : i32, i32, i32
  }
}

module attributes {stable_mosaic.version = 14 : i64} {
  func.func @_dec_body(%arg0: i32, %arg1: memref<512x256xf32, #tpu.memory_space<vmem>>, %arg2: memref<512x256xf32, #tpu.memory_space<vmem>>, %arg3: memref<256x2048xbf16, #tpu.memory_space<vmem>>, %arg4: memref<1x2048xf32, #tpu.memory_space<vmem>>, %arg5: memref<2048x768xbf16, #tpu.memory_space<vmem>>, %arg6: memref<1x768xf32, #tpu.memory_space<vmem>>, %arg7: memref<512x768xf32, #tpu.memory_space<vmem>>, %arg8: memref<1x1xf32, #tpu.memory_space<vmem>>) attributes {dimension_semantics = [#tpu.dimension_semantics<arbitrary>], iteration_bounds = array<i64: 16>, scalar_prefetch = 0 : i64, scratch_operands = 0 : i64, tpu.core_type = #tpu.core_type<tc>, window_params = [{transform_indices = @transform_0, window_bounds = array<i64: 512, 256>}, {transform_indices = @transform_1, window_bounds = array<i64: 512, 256>}, {pipeline_mode = #tpu.pipeline_mode<synchronous>, transform_indices = @transform_2, window_bounds = array<i64: 256, 2048>}, {pipeline_mode = #tpu.pipeline_mode<synchronous>, transform_indices = @transform_3, window_bounds = array<i64: 1, 2048>}, {pipeline_mode = #tpu.pipeline_mode<synchronous>, transform_indices = @transform_4, window_bounds = array<i64: 2048, 768>}, {pipeline_mode = #tpu.pipeline_mode<synchronous>, transform_indices = @transform_5, window_bounds = array<i64: 1, 768>}, {transform_indices = @transform_6, window_bounds = array<i64: 512, 768>}, {pipeline_mode = #tpu.pipeline_mode<synchronous>, transform_indices = @transform_7, window_bounds = array<i64: 1, 1>}]} {
    %get3A = arith.constant 0 : index
    %get3A_0 = arith.constant 0 : index
    %get3A_1 = vector.load %arg1[%get3A, %get3A_0] : memref<512x256xf32, #tpu.memory_space<vmem>>, vector<512x256xf32>
    %convert_element_type3A = arith.truncf %get3A_1 : vector<512x256xf32> to vector<512x256xbf16>
    %convert_element_type3A_2 = arith.extf %convert_element_type3A : vector<512x256xbf16> to vector<512x256xf32>
    %get3A_3 = arith.constant 0 : index
    %get3A_4 = arith.constant 0 : index
    %get3A_5 = vector.load %arg2[%get3A_3, %get3A_4] : memref<512x256xf32, #tpu.memory_space<vmem>>, vector<512x256xf32>
    %sub3A = arith.subf %convert_element_type3A_2, %get3A_5 : vector<512x256xf32>
    %eq3A = arith.constant 0 : i32
    %eq3A_6 = arith.cmpi eq, %arg0, %eq3A : i32
    %convert_element_type3A_7 = arith.extui %eq3A_6 : i1 to i32
    %cond3A = arith.constant 0 : i32
    %cond3A_8 = arith.cmpi ne, %convert_element_type3A_7, %cond3A : i32
    scf.if %cond3A_8 {
      %broadcast_in_dim3A = arith.constant 0.000000e+00 : f32
      %broadcast_in_dim3A_53 = vector.broadcast %broadcast_in_dim3A : f32 to vector<1x1xf32>
      %swap3A_54 = arith.constant 0 : index
      %swap3A_55 = arith.constant 0 : index
      %swap3A_56 = vector.load %arg8[%swap3A_54, %swap3A_55] : memref<1x1xf32, #tpu.memory_space<vmem>>, vector<1x1xf32>
      tpu.vector_store %arg8[%swap3A_54, %swap3A_55], %broadcast_in_dim3A_53 {strides = array<i32>} : memref<1x1xf32, #tpu.memory_space<vmem>>, vector<1x1xf32>,
    } else {
    }
    %get3A_9 = arith.constant 0 : index
    %get3A_10 = arith.constant 0 : index
    %get3A_11 = vector.load %arg8[%get3A_9, %get3A_10] : memref<1x1xf32, #tpu.memory_space<vmem>>, vector<1x1xf32>
    %mul3A = arith.mulf %sub3A, %sub3A : vector<512x256xf32>
    %reduce_sum3A = vector.shape_cast %mul3A : vector<512x256xf32> to vector<1x512x256xf32>
    %reduce_sum3A_12 = arith.constant dense<0.000000e+00> : vector<1xf32>
    %reduce_sum3A_13 = vector.multi_reduction <add>, %reduce_sum3A, %reduce_sum3A_12 [1, 2] : vector<1x512x256xf32> to vector<1xf32>
    %reduce_sum3A_14 = vector.shape_cast %reduce_sum3A_13 : vector<1xf32> to vector<1x1x1xf32>
    %reduce_sum3A_15 = vector.extract %reduce_sum3A_14[0, 0, 0] : f32 from vector<1x1x1xf32>
    %add3A = vector.broadcast %reduce_sum3A_15 : f32 to vector<1x1xf32>
    %add3A_16 = arith.addf %get3A_11, %add3A : vector<1x1xf32>
    %swap3A = arith.constant 0 : index
    %swap3A_17 = arith.constant 0 : index
    %swap3A_18 = vector.load %arg8[%swap3A, %swap3A_17] : memref<1x1xf32, #tpu.memory_space<vmem>>, vector<1x1xf32>
    tpu.vector_store %arg8[%swap3A, %swap3A_17], %add3A_16 {strides = array<i32>} : memref<1x1xf32, #tpu.memory_space<vmem>>, vector<1x1xf32>,
    %add3A_19 = arith.addf %get3A_5, %sub3A : vector<512x256xf32>
    %convert_element_type3A_20 = arith.truncf %add3A_19 : vector<512x256xf32> to vector<512x256xbf16>
    %get3A_21 = arith.constant 0 : index
    %get3A_22 = arith.constant 0 : index
    %get3A_23 = vector.load %arg3[%get3A_21, %get3A_22] : memref<256x2048xbf16, #tpu.memory_space<vmem>>, vector<256x2048xbf16>
    %dot_general3A = arith.constant dense<0.000000e+00> : vector<512x2048xf32>
    %dot_general3A_24 = tpu.matmul %convert_element_type3A_20, %get3A_23, %dot_general3A {dimension_numbers = #tpu.dot_dimension_numbers<[1], [0], [0], [1], [0, 0, 1, 1], [], []>, transpose_lhs_hint = false} : vector<512x256xbf16>, vector<256x2048xbf16>, vector<512x2048xf32> -> vector<512x2048xf32>
    %get3A_25 = arith.constant 0 : index
    %get3A_26 = arith.constant 0 : index
    %get3A_27 = vector.load %arg4[%get3A_25, %get3A_26] : memref<1x2048xf32, #tpu.memory_space<vmem>>, vector<1x2048xf32>
    %add3A_28 = vector.broadcast %get3A_27 : vector<1x2048xf32> to vector<512x2048xf32>
    %add3A_29 = arith.addf %dot_general3A_24, %add3A_28 : vector<512x2048xf32>
    %max3A = arith.constant 0.000000e+00 : f32
    %max3A_30 = vector.broadcast %max3A : f32 to vector<512x2048xf32>
    %max3A_31 = arith.maximumf %add3A_29, %max3A_30 : vector<512x2048xf32>
    %convert_element_type3A_32 = arith.truncf %max3A_31 : vector<512x2048xf32> to vector<512x2048xbf16>
    %get3A_33 = arith.constant 0 : index
    %get3A_34 = arith.constant 0 : index
    %get3A_35 = vector.load %arg5[%get3A_33, %get3A_34] : memref<2048x768xbf16, #tpu.memory_space<vmem>>, vector<2048x768xbf16>
    %dot_general3A_36 = arith.constant dense<0.000000e+00> : vector<512x768xf32>
    %dot_general3A_37 = tpu.matmul %convert_element_type3A_32, %get3A_35, %dot_general3A_36 {dimension_numbers = #tpu.dot_dimension_numbers<[1], [0], [0], [1], [0, 0, 1, 1], [], []>, transpose_lhs_hint = false} : vector<512x2048xbf16>, vector<2048x768xbf16>, vector<512x768xf32> -> vector<512x768xf32>
    %get3A_38 = arith.constant 0 : index
    %get3A_39 = arith.constant 0 : index
    %get3A_40 = vector.load %arg6[%get3A_38, %get3A_39] : memref<1x768xf32, #tpu.memory_space<vmem>>, vector<1x768xf32>
    %add3A_41 = vector.broadcast %get3A_40 : vector<1x768xf32> to vector<512x768xf32>
    %add3A_42 = arith.addf %dot_general3A_37, %add3A_41 : vector<512x768xf32>
    %neg3A = arith.constant 0.000000e+00 : f32
    %neg3A_43 = vector.broadcast %neg3A : f32 to vector<512x768xf32>
    %neg3A_44 = arith.subf %neg3A_43, %add3A_42 : vector<512x768xf32>
    %exp3A = math.exp %neg3A_44 : vector<512x768xf32>
    %add3A_45 = arith.constant 1.000000e+00 : f32
    %add3A_46 = vector.broadcast %add3A_45 : f32 to vector<512x768xf32>
    %add3A_47 = arith.addf %add3A_46, %exp3A : vector<512x768xf32>
    %div3A = arith.constant 1.000000e+00 : f32
    %div3A_48 = vector.broadcast %div3A : f32 to vector<512x768xf32>
    %div3A_49 = arith.divf %div3A_48, %add3A_47 : vector<512x768xf32>
    %swap3A_50 = arith.constant 0 : index
    %swap3A_51 = arith.constant 0 : index
    %swap3A_52 = vector.load %arg7[%swap3A_50, %swap3A_51] : memref<512x768xf32, #tpu.memory_space<vmem>>, vector<512x768xf32>
    tpu.vector_store %arg7[%swap3A_50, %swap3A_51], %div3A_49 {strides = array<i32>} : memref<512x768xf32, #tpu.memory_space<vmem>>, vector<512x768xf32>,
    return
  }
  func.func @transform_0(%arg0: i32) -> (i32, i32) {
    %c0_i32 = arith.constant 0 : i32
    %c0_i32_0 = arith.constant 0 : i32
    return %arg0, %c0_i32 : i32, i32
  }
  func.func @transform_1(%arg0: i32) -> (i32, i32) {
    %c0_i32 = arith.constant 0 : i32
    %c0_i32_0 = arith.constant 0 : i32
    return %arg0, %c0_i32 : i32, i32
  }
  func.func @transform_2(%arg0: i32) -> (i32, i32) {
    %c0_i32 = arith.constant 0 : i32
    %c0_i32_0 = arith.constant 0 : i32
    %c0_i32_1 = arith.constant 0 : i32
    return %c0_i32, %c0_i32_0 : i32, i32
  }
  func.func @transform_3(%arg0: i32) -> (i32, i32) {
    %c0_i32 = arith.constant 0 : i32
    %c0_i32_0 = arith.constant 0 : i32
    %c0_i32_1 = arith.constant 0 : i32
    return %c0_i32, %c0_i32_0 : i32, i32
  }
  func.func @transform_4(%arg0: i32) -> (i32, i32) {
    %c0_i32 = arith.constant 0 : i32
    %c0_i32_0 = arith.constant 0 : i32
    %c0_i32_1 = arith.constant 0 : i32
    return %c0_i32, %c0_i32_0 : i32, i32
  }
  func.func @transform_5(%arg0: i32) -> (i32, i32) {
    %c0_i32 = arith.constant 0 : i32
    %c0_i32_0 = arith.constant 0 : i32
    %c0_i32_1 = arith.constant 0 : i32
    return %c0_i32, %c0_i32_0 : i32, i32
  }
  func.func @transform_6(%arg0: i32) -> (i32, i32) {
    %c0_i32 = arith.constant 0 : i32
    %c0_i32_0 = arith.constant 0 : i32
    return %arg0, %c0_i32 : i32, i32
  }
  func.func @transform_7(%arg0: i32) -> (i32, i32) {
    %c0_i32 = arith.constant 0 : i32
    %c0_i32_0 = arith.constant 0 : i32
    %c0_i32_1 = arith.constant 0 : i32
    return %c0_i32, %c0_i32_0 : i32, i32
  }
}

</mosaic_0001>

<sc_bundles>
// kernel: kernel.5.cloned.1.call-start
scs
__scs_entry_jumppad:
0x0: {  	(pc) =	sbr.rel $0x88, $3  }
0x1: {  	(tag) =	ssettag $0x0;
	lr =	simm.s32 $0x1  }
0x2: {  	[smem:$0x3F97] =	sst lr;
	_ =	strace $0xD0000000  }
0x3: {  	_ = 	snop  }
0x4: {  	_ = 	snop  }
0x5: {  	_ = 	snop  }
0x6: {  	_ = 	snop  }
0x7: {  	_ = 	snop  }
__scs_overlays_trampoline_lowered:
0x8: {  	[smem:$0x3FA6] =	sst s0  }
0x9: {  	[smem:$0x3FA7] =	sst s1  }
0xa: {  	[smem:$0x3FA8] =	sst s2  }
0xb: {  	[smem:$0x3FA9] =	sst s3  }
0xc: {  	[smem:$0x3FAA] =	sst s4  }
0xd: {  	[smem:$0x3FAB] =	sst s5  }
0xe: {  	[smem:$0x3FAC] =	sst s6  }
0xf: {  	[smem:$0x3FAD] =	sst s7  }
0x10: {  	[smem:$0x3FAE] =	sst s8  }
0x11: {  	[smem:$0x3FAF] =	sst s9;
	s0 =	simm.s32 @!p0 $0x0  }
0x12: {  	s1 =	sld [smem:$0x3F95];
	s0 =	simm.s32 @p0 $0x1  }
0x13: {  	[smem:$0x3FB0] =	sst s0;
	s0 =	simm.s32 @!p1 $0x0  }
0x14: {  	s2 =	sld [smem:$0x3F94];
	s0 =	simm.s32 @p1 $0x1  }
0x15: {  	[smem:$0x3FB1] =	sst s0;
	s0 =	simm.s32 @!p2 $0x0  }
0x16: {  	s3 =	sld [smem:$0x3FDB];
	s0 =	simm.s32 @p2 $0x1  }
0x17: {  	s4 =	simm.s32 $0x1BF5;
	[smem:$0x3FB3] =	sst s0  }
0x18: {  	s0 =	sld [smem:$0x3F96];
	_ =	swait.ge [sflag:s4], $0x0  }
0x19: {  	s7 =	sld [smem:$0x3F97]  }
0x1a: {  	s8 =	sadd.s32 $0xFFFFE003, lr  }
0x1b: {  	s9 =	sadd.s32 $0xFFFFFEF7, lr;
	s5 =	simm.s32 $0xFFFFFFFF;
	p2 =	slt.u32 s8, $0xFFFFF086  }
0x1c: {  	p1 =	slt.u32 s9, $0xF7A;
	s5 =	simm.s32 @!p2 $0x0  }
0x1d: {  	s5 =	simm.s32 @p1 $0x1;
	p0 =	seq.s32 s7, s2  }
0x1e: {  	s7 =	smul.u32 @!p0 $0xF7A, s2;
	p2 =	seq.s32 @!p0 s5, $0x0  }
0x1f: {  	s9 =	smul.u32 $0xF7A, s1;
	s8 =	simm.s32 @!p0 $0x1BF5;
	p2 =	por !p2, p0  }
0x20: {  	[sflag:s8] =	ssyncset.s32 @!p0 $0xFFFFF086;
	s6 =	sadd.s32 @!p0 s3, s7;
	s7 =	simm.s32 @!p0 $0x108  }
0x21: {  	s3 =	sadd.s32 s3, s9;
	s6 =	sadd.s32 @!p0 $0x88, s6;
	s7 =	simm.s32 @p2 $0x1082  }
0x22: {  	[simem:s7], [sflag:s8] =	dma.local @!p0 [hbm:s6], $0xF7A  }
0x23: {  	s9 =	sor.u32 $0xD0000000, s2;
	s6 =	simm.s32 $0x108;
	_ =	swait.ge @!p0 [sflag:s8], $0x0  }
0x24: {  	s3 =	sadd.s32 $0x88, s3;
	s6 =	simm.s32 @!p1 $0x1082;
	[sflag:s4] =	ssyncset.s32 $0xFFFFF086  }
0x25: {  	[simem:s6], [sflag:s4] =	dma.local [hbm:s3], $0xF7A  }
0x26: {  	[smem:$0x3F97] =	sst s1;
	(tag) =	ssettag s2;
	_ =	strace s9  }
0x27: {  	s1 =	sld [smem:$0x3FA7]  }
0x28: {  	s2 =	sld [smem:$0x3FA8]  }
0x29: {  	s4 =	sld [smem:$0x3FAA]  }
0x2a: {  	p0 =	seq.s32 s5, $0x0;
	s5 =	sld [smem:$0x3FAB]  }
0x2b: {  	s6 =	sld [smem:$0x3FAC]  }
0x2c: {  	s7 =	sld [smem:$0x3FAD]  }
0x2d: {  	s3 =	simm.s32 $0x108;
	s8 =	sld [smem:$0x3FAE]  }
0x2e: {  	s3 =	simm.s32 @!p0 $0x1082;
	s9 =	sld [smem:$0x3FAF]  }
0x2f: {  	lr =	sadd.s32 s0, s3;
	s0 =	sld [smem:$0x3FA6]  }
0x30: {  	s3 =	sld [smem:$0x3FA9]  }
0x31: {  	[smem:$0x3FB2] =	sst s10  }
0x32: {  	s10 =	sld [smem:$0x3FB0];
	_ =	sdelay $0x3  }
0x33: {  	p0 =	seq.s32 s10, $0x1;
	s10 =	sld [smem:$0x3FB2];
	_ =	sdelay $0x3  }
0x34: {  	[smem:$0x3FB2] =	sst s10  }
0x35: {  	s10 =	sld [smem:$0x3FB1];
	_ =	sdelay $0x3  }
0x36: {  	p1 =	seq.s32 s10, $0x1;
	s10 =	sld [smem:$0x3FB2];
	_ =	sdelay $0x3  }
0x37: {  	[smem:$0x3FB2] =	sst s10  }
0x38: {  	s10 =	sld [smem:$0x3FB3]  }
0x39: {  	_ = 	snop;
	(pc) =	sbr.ind lr, $3  }
0x3a: {  	_ = 	snop  }
0x3b: {  	_ = 	snop  }
0x3c: {  	p2 =	seq.s32 s10, $0x1;
	s10 =	sld [smem:$0x3FB2]  }
0x3d: {  	_ =	shalt  }
0x3e: {  	_ =	shalt  }
0x3f: {  	_ =	shalt  }
0x40: {  	_ =	shalt  }
0x41: {  	_ =	shalt  }
0x42: {  	_ =	shalt  }
0x43: {  	_ =	shalt  }
0x44: {  	_ =	shalt  }
0x45: {  	_ =	shalt  }
0x46: {  	_ =	shalt  }
0x47: {  	_ =	shalt  }
0x48: {  	_ =	shalt  }
0x49: {  	_ =	shalt  }
0x4a: {  	_ =	shalt  }
0x4b: {  	_ =	shalt  }
0x4c: {  	_ =	shalt  }
0x4d: {  	_ =	shalt  }
0x4e: {  	_ =	shalt  }
0x4f: {  	_ =	shalt  }
0x50: {  	_ =	shalt  }
0x51: {  	_ =	shalt  }
0x52: {  	_ =	shalt  }
0x53: {  	_ =	shalt  }
0x54: {  	_ =	shalt  }
0x55: {  	_ =	shalt  }
0x56: {  	_ =	shalt  }
0x57: {  	_ =	shalt  }
0x58: {  	_ =	shalt  }
0x59: {  	_ =	shalt  }
0x5a: {  	_ =	shalt  }
0x5b: {  	_ =	shalt  }
0x5c: {  	_ =	shalt  }
0x5d: {  	_ =	shalt  }
0x5e: {  	_ =	shalt  }
0x5f: {  	_ =	shalt  }
0x60: {  	_ =	shalt  }
0x61: {  	_ =	shalt  }
0x62: {  	_ =	shalt  }
0x63: {  	_ =	shalt  }
0x64: {  	_ =	shalt  }
0x65: {  	_ =	shalt  }
0x66: {  	_ =	shalt  }
0x67: {  	_ =	shalt  }
0x68: {  	_ =	shalt  }
0x69: {  	_ =	shalt  }
0x6a: {  	_ =	shalt  }
0x6b: {  	_ =	shalt  }
0x6c: {  	_ =	shalt  }
0x6d: {  	_ =	shalt  }
0x6e: {  	_ =	shalt  }
0x6f: {  	_ =	shalt  }
0x70: {  	_ =	shalt  }
0x71: {  	_ =	shalt  }
0x72: {  	_ =	shalt  }
0x73: {  	_ =	shalt  }
0x74: {  	_ =	shalt  }
0x75: {  	_ =	shalt  }
0x76: {  	_ =	shalt  }
0x77: {  	_ =	shalt  }
0x78: {  	_ =	shalt  }
0x79: {  	_ =	shalt  }
0x7a: {  	_ =	shalt  }
0x7b: {  	_ =	shalt  }
0x7c: {  	_ =	shalt  }
0x7d: {  	_ =	shalt  }
0x7e: {  	_ =	shalt  }
0x7f: {  	_ =	shalt  }
0x80: {  	_ =	shalt  }
0x81: {  	_ =	shalt  }
0x82: {  	_ =	shalt  }
0x83: {  	_ =	shalt  }
0x84: {  	_ =	shalt  }
0x85: {  	_ =	shalt  }
0x86: {  	_ =	shalt  }
0x87: {  	_ =	shalt  }
.Lfunc_end0:
.L_simem_size_0:
called_computation_lowered:
.L_overlay_start_0:
0x88: {  	s2 =	sld [smem:$0x3FD9]  }
0x89: {  	s3 =	sld [smem:$0x3FFE];
	_ =	sdelay $0x1  }
0x8a: {  	s1 =	srdreg.scid  }
0x8b: {  	s0 =	sand.u32 $0x1, s1  }
0x8c: {  	s15 =	sshll.u32 s0, $0xA;
	s2 =	sadd.s32 s3, s2  }
0x8d: {  	s2 =	sadd.s32 s2, s15  }
0x8e: {  	[smem:$0x3FBE] =	sst s2  }
0x8f: {  	_ = 	snop  }
0x90: {  	s2 =	sld [smem:$0x3FD0];
	_ =	sdelay $0x2  }
0x91: {  	s4 =	simm.s32 $0xA;
	s5 =	simm.s32 $0x10;
	s16 =	sld [smem:$0x3FC4]  }
0x92: {  	[smem:s5], [sflag:s4] =	dma.local [hbm:s2], $0x1  }
0x93: {  	_ =	swait.eq [sflag:s4], $0x1  }
0x94: {  	[sflag:s4] =	ssyncset.done $0x0  }
0x95: {  	s17 =	sld [smem:$0x10];
	[sflag:s4] =	ssyncadd.s32 $0xFFFFFFFF  }
0x96: {  	s18 =	sld [smem:$0x12];
	(tm) =	ssettm $0x1  }
0x97: {  	s19 =	sld [smem:$0x3FFB];
	_ =	sdelay $0x3  }
0x98: {  	_ =	strace s19  }
0x99: {  	s5 =	sld [smem:$0x3FFC];
	_ =	sdelay $0x3  }
0x9a: {  	_ =	strace s5  }
0x9b: {  	s5 =	sld [smem:$0x3FFD];
	_ =	sdelay $0x3  }
0x9c: {  	_ =	strace s5  }
0x9d: {  	_ =	strace $0x8FFFFFFF  }
0x9e: {  	s20 =	sld [smem:$0x3FDB];
	_ =	sdelay $0x1  }
0x9f: {  	s6 =	simm.s32 $_scs_section_size  }
0xa0: {  	s7 =	simm.s32 $_size__tile_overlayer_lowered;
	s8 =	simm.s32 $_tile_overlayer_lowered  }
0xa1: {  	s23 =	simm.s32 $0x1BFF;
	s22 =	sshll.u32 s8, $0x1;
	s5 =	sadd.s32 s6, s20  }
0xa2: {  	s9 =	simm.s32 $0x0;
	s21 =	sshll.u32 s7, $0x1;
	s7 =	sadd.s32 s22, s5  }
0xa3: {  	[timem:s9], [sflag:s23] =	dma.local [hbm:s7], s21  }
0xa4: {  	_ =	swait.ge [sflag:s23], s21  }
0xa5: {  	s6 =	ssub.s32 $0x0, s21;
	[sflag:s23] =	ssyncset.done $0x0  }
0xa6: {  	[sflag:s23] =	ssyncadd.s32 s6;
	_ =	sdelay $0x1  }
0xa7: {  	s24 =	simm.s32 $0x1B8B  }
0xa8: {  	_ =	swait.ge [sflag:s24], $0x1  }
0xa9: {  	[sflag:s24] =	ssyncset.done $0x0  }
0xaa: {  	s25 =	simm.s32 $0x1B8E;
	[sflag:s24] =	ssyncadd.s32 $0xFFFFFFFF  }
0xab: {  	s26 =	simm.s32 $execute0_lowered;
	[smem:$0x3FD2] =	sst s25  }
0xac: {  	s6 =	sshll.u32 s26, $0x1;
	_ =	strace $0x80000046;
	[dreg:$0x1] =	wrdreg $0xFFFFFFFF  }
0xad: {  	s28 =	simm.s32 $_size_execute0_lowered;
	s5 =	sadd.s32 s5, s6;
	[dreg:$0x0] =	wrdreg $0x0  }
0xae: {  	s6 =	sshll.u32 s28, $0x1;
	[dreg:$0x2] =	wrdreg s5  }
0xaf: {  	[dreg:$0x3] =	wrdreg s6  }
0xb0: {  	[dreg:$0x4] =	wrdreg $0xC0  }
0xb1: {  	_ =	task [dreg:s9], $0x5FFFF  }
0xb2: {  	[dreg:$0x1] =	wrdreg $0xFFFFFFFF  }
0xb3: {  	[dreg:$0x0] =	wrdreg $0x60  }
0xb4: {  	[dreg:$0x2] =	wrdreg s16  }
0xb5: {  	[dreg:$0x3] =	wrdreg s18  }
0xb6: {  	[dreg:$0x4] =	wrdreg s17  }
0xb7: {  	[dreg:$0x5] =	wrdreg $0x9  }
0xb8: {  	_ =	task.clear_ibuf [dreg:s9], $0x6FFFF;
	_ =	strace $0x90000046  }
0xb9: {  	s29 =	simm.s32 $0x9;
	_ =	strace $0x80000048  }
0xba: {  	_ =	swait.ge [sflag:s29], $0x1  }
0xbb: {  	[sflag:s29] =	ssyncadd.s32 $0xFFFFFFFF  }
0xbc: {  	_ =	strace $0x90000048  }
0xbd: {  	_ =	sfence  }
0xbe: {  	s30 =	sld [smem:$0x0];
	_ =	sdelay $0x2  }
0xbf: {  	s31 =	sshll.u32 s1, $0xD;
	s1 =	sshrl.u32 s1, $0x2  }
0xc0: {  	s3 =	sand.u32 $0x4000, s31;
	s1 =	sadd.s32 s1, s30  }
0xc1: {  	s0 =	sor.u32 s3, s0;
	s1 =	sshll.u32 s1, $0x11  }
0xc2: {  	s0 =	sor.u32 s1, s0  }
0xc3: {  	s0 =	sadd.s32 $0x8F2B, s0  }
0xc4: {  	[sflag:s0] =	ssyncadd.remote.s32 $0x1  }
0xc5: {  	_ =	sfence.sel $0xFFFF  }
0xc6: {  	[dreg:$0x0] =	wrdreg $0xFFFFFFFF;
	(pc) =	sbr.abs _section_cstart, $3  }
0xc7: {  	[dreg:$0x1] =	wrdreg $0xFFFFFFFF  }
0xc8: {  	_ =	task.clear_ibuf [dreg:s9], $0x2FFFF;
	_ =	strace $0x9FFFFFFF  }
0xc9: {  	(tm) =	ssettm $0x7FFFFFFF  }
tec
execute0_lowered:
.L_overlay_start_1:
0x0: {  	(tag) =	ssettag $0x1  }
0x1: {  	s1 =	rddreg [dreg:$0x0]  }
0x2: {  	s2 =	srdreg.scid;
	s4 =	rddreg [dreg:$0x1]  }
0x3: {  	s0 =	stileid.u32;
	s5 =	rddreg [dreg:$0x2]  }
0x4: {  	s3 =	simm.s32 $0x0;
	s19 =	simm.s32 $0x900;
	s20 =	simm.s32 $0x1100  }
0x5: {  	s21 =	simm.s32 $0x1900;
	s23 =	simm.s32 $0x2100;
	s24 =	simm.s32 $0x2900  }
0x6: {  	s25 =	simm.s32 $0x3100;
	s26 =	simm.s32 $0x3900;
	s8 =	simm.s32 $0x4900  }
0x7: {  	s9 =	simm.s32 $0x5100;
	s10 =	simm.s32 $0x5900;
	s11 =	simm.s32 $0x6100  }
0x8: {  	s12 =	simm.s32 $0x6900;
	s13 =	simm.s32 $0x7100;
	[smem:$0x7FF] =	sst s3  }
0x9: {  	s14 =	simm.s32 $0x7900;
	_ =	strace $0x80000047;
	[dreg:$0x6] =	wrdreg s19  }
0xa: {  	s15 =	simm.s32 $0x8100;
	s16 =	simm.s32 $0x8900;
	[dreg:$0x7] =	wrdreg s20  }
0xb: {  	s17 =	simm.s32 $0x9100;
	s28 =	simm.s32 $0xE100;
	[dreg:$0x8] =	wrdreg s21  }
0xc: {  	s29 =	simm.s32 $0xE900;
	s30 =	simm.s32 $0xF100;
	[dreg:$0x9] =	wrdreg s23  }
0xd: {  	s31 =	simm.s32 $0xF900;
	s2 =	sand.u32 $0x1, s2;
	[dreg:$0xa] =	wrdreg s24  }
0xe: {  	s6 =	sshll.u32 s0, $0x9;
	s7 =	sshll.u32 s2, $0x8;
	[dreg:$0xb] =	wrdreg s25  }
0xf: {  	s2 =	ssub.s32 $0x2, s2;
	[dreg:$0xc] =	wrdreg s26;
	s19 =	simm.s32 $0xA100  }
0x10: {  	s20 =	simm.s32 $0xA900;
	s21 =	simm.s32 $0xB100;
	s23 =	simm.s32 $0xC100  }
0x11: {  	s24 =	simm.s32 $0xC900;
	s25 =	simm.s32 $0xD100;
	s6 =	sor.u32 s7, s6  }
0x12: {  	s26 =	simm.s32 $0xD900;
	s22 =	sshrl.u32 s2, $0x1;
	s7 =	sshrl.u32 s6, $0x3  }
0x13: {  	s6 =	sshll.u32 s6, $0x5;
	s2 =	ssub.s32 s2, s22;
	s4 =	sadd.s32 s4, s7  }
0x14: {  	v2 =	vlaneseq.u32;
	s22 =	simm.s32 $0xB900;
	s18 =	sadd.s32 s5, s6;
	[dreg:$0x4] =	wrdreg s4  }
0x15: {  	vm0 =	vmmov $0xffff;
	v1 =	vshrl.u32 v2, $0x3;
	s5 =	simm.s32 $0x2;
	s6 =	simm.s32 $0x100;
	[dreg:$0x5] =	wrdreg s18  }
0x16: {  	v0 =	vand.u32 $0x7, v2;
	v2 =	vor.u32 $0x8, v2;
	v1 =	vmul.u32 $0x8, v1;
	s4 =	smax.u32 s2, $0x1;
	s18 =	simm.s32 $0x9900;
	s2 =	simm.s32 $0x1  }
.LBB2_1:
0x17: {  	s0 =	rddreg [dreg:$0x4]  }
0x18: {  	[tilespmem:s3], [sflag:$0x2] =	stream.linear.gather [hbm4b:s0+s3], $0x100, $0x38;
	[tilespmem:$0x10100] =	vst v63  }
0x19: {  	_ =	swait.ge [sflag:s5], $0x100  }
0x1a: {  	[sflag:s5] =	ssyncset.done $0x0  }
0x1b: {  	[sflag:s5] =	ssyncadd.s32 $0xFFFFFF00  }
0x1c: {  	v3 =	vld [tilespmem:$0x0];
	_ =	sdelay $0x4  }
0x1d: {  	v4 =	vshll.u32 v3, $0x1  }
0x1e: {  	v3 =	vand.u32 $0x7, v3;
	v4 =	vand.u32 $0xFFFFFFF0, v4  }
0x1f: {  	v3 =	vor.u32 v3, v4  }
0x20: {  	v4 =	vperm.xlane v3, v0;
	_ =	sdelay $0x1  }
0x21: {  	v3 =	vperm.xlane v3, v2;
	v4 =	vadd.s32 v1, v4;
	_ =	sdelay $0x1  }
0x22: {  	v3 =	vadd.s32 v1, v3;
	_ =	sdelay $0x2  }
0x23: {  	[tilespmem:s6], [sflag:$0x1] =	stream.indirect_vreg.gather [hbm4b:s1+s3], $0x80, v4, vm0, $0xb8;
	[tilespmem:$0x10100] =	vst v63  }
0x24: {  	s7 =	rddreg [dreg:$0x6]  }
0x25: {  	[tilespmem:s7], [sflag:$0x1] =	stream.indirect_vreg.gather [hbm4b:s1+s3], $0x80, v3, vm0, $0xb8;
	[tilespmem:$0x10100] =	vst v63  }
0x26: {  	v3 =	vld [tilespmem:$0x10];
	_ =	sdelay $0x4  }
0x27: {  	v49 =	vshll.u32 v3, $0x1  }
0x28: {  	v3 =	vand.u32 $0x7, v3;
	v4 =	vand.u32 $0xFFFFFFF0, v49  }
0x29: {  	v3 =	vor.u32 v3, v4  }
0x2a: {  	v4 =	vperm.xlane v3, v0;
	_ =	sdelay $0x1  }
0x2b: {  	v3 =	vperm.xlane v3, v2;
	v4 =	vadd.s32 v1, v4;
	_ =	sdelay $0x1  }
0x2c: {  	v3 =	vadd.s32 v1, v3;
	_ =	sdelay $0x1  }
0x2d: {  	s0 =	rddreg [dreg:$0x7]  }
0x2e: {  	[tilespmem:s0], [sflag:$0x1] =	stream.indirect_vreg.gather [hbm4b:s1+s3], $0x80, v4, vm0, $0xb8;
	[tilespmem:$0x10100] =	vst v63  }
0x2f: {  	s7 =	rddreg [dreg:$0x8]  }
0x30: {  	[tilespmem:s7], [sflag:$0x1] =	stream.indirect_vreg.gather [hbm4b:s1+s3], $0x80, v3, vm0, $0xb8;
	[tilespmem:$0x10100] =	vst v63  }
0x31: {  	v3 =	vld [tilespmem:$0x20];
	_ =	sdelay $0x4  }
0x32: {  	v50 =	vshll.u32 v3, $0x1  }
0x33: {  	v3 =	vand.u32 $0x7, v3;
	v4 =	vand.u32 $0xFFFFFFF0, v50  }
0x34: {  	v3 =	vor.u32 v3, v4  }
0x35: {  	v4 =	vperm.xlane v3, v0;
	_ =	sdelay $0x1  }
0x36: {  	v3 =	vperm.xlane v3, v2;
	v4 =	vadd.s32 v1, v4;
	_ =	sdelay $0x1  }
0x37: {  	v3 =	vadd.s32 v1, v3;
	_ =	sdelay $0x1  }
0x38: {  	s0 =	rddreg [dreg:$0x9]  }
0x39: {  	[tilespmem:s0], [sflag:$0x1] =	stream.indirect_vreg.gather [hbm4b:s1+s3], $0x80, v4, vm0, $0xb8;
	[tilespmem:$0x10100] =	vst v63  }
0x3a: {  	s7 =	rddreg [dreg:$0xa]  }
0x3b: {  	[tilespmem:s7], [sflag:$0x1] =	stream.indirect_vreg.gather [hbm4b:s1+s3], $0x80, v3, vm0, $0xb8;
	[tilespmem:$0x10100] =	vst v63  }
0x3c: {  	v3 =	vld [tilespmem:$0x30];
	_ =	sdelay $0x4  }
0x3d: {  	v51 =	vshll.u32 v3, $0x1  }
0x3e: {  	v3 =	vand.u32 $0x7, v3;
	v4 =	vand.u32 $0xFFFFFFF0, v51  }
0x3f: {  	v3 =	vor.u32 v3, v4  }
0x40: {  	v4 =	vperm.xlane v3, v0;
	_ =	sdelay $0x1  }
0x41: {  	v3 =	vperm.xlane v3, v2;
	v4 =	vadd.s32 v1, v4;
	_ =	sdelay $0x1  }
0x42: {  	v3 =	vadd.s32 v1, v3;
	_ =	sdelay $0x1  }
0x43: {  	s0 =	rddreg [dreg:$0xb]  }
0x44: {  	[tilespmem:s0], [sflag:$0x1] =	stream.indirect_vreg.gather [hbm4b:s1+s3], $0x80, v4, vm0, $0xb8;
	[tilespmem:$0x10100] =	vst v63  }
0x45: {  	s7 =	rddreg [dreg:$0xc]  }
0x46: {  	[tilespmem:s7], [sflag:$0x1] =	stream.indirect_vreg.gather [hbm4b:s1+s3], $0x80, v3, vm0, $0xb8;
	[tilespmem:$0x10100] =	vst v63  }
0x47: {  	v3 =	vld [tilespmem:$0x40];
	_ =	sdelay $0x4  }
0x48: {  	v52 =	vshll.u32 v3, $0x1  }
0x49: {  	v3 =	vand.u32 $0x7, v3;
	v4 =	vand.u32 $0xFFFFFFF0, v52  }
0x4a: {  	v3 =	vor.u32 v3, v4  }
0x4b: {  	v4 =	vperm.xlane v3, v0;
	_ =	sdelay $0x1  }
0x4c: {  	v3 =	vperm.xlane v3, v2;
	v4 =	vadd.s32 v1, v4;
	_ =	sdelay $0x1  }
0x4d: {  	v3 =	vadd.s32 v1, v3;
	_ =	sdelay $0x1  }
0x4e: {  	s7 =	simm.s32 $0x4100  }
0x4f: {  	[tilespmem:s7], [sflag:$0x1] =	stream.indirect_vreg.gather [hbm4b:s1+s3], $0x80, v4, vm0, $0xb8;
	[tilespmem:$0x10100] =	vst v63  }
0x50: {  	_ = 	snop  }
0x51: {  	[tilespmem:s8], [sflag:$0x1] =	stream.indirect_vreg.gather [hbm4b:s1+s3], $0x80, v3, vm0, $0xb8;
	[tilespmem:$0x10100] =	vst v63  }
0x52: {  	v3 =	vld [tilespmem:$0x50];
	_ =	sdelay $0x4  }
0x53: {  	v53 =	vshll.u32 v3, $0x1  }
0x54: {  	v3 =	vand.u32 $0x7, v3;
	v4 =	vand.u32 $0xFFFFFFF0, v53  }
0x55: {  	v3 =	vor.u32 v3, v4  }
0x56: {  	v4 =	vperm.xlane v3, v0;
	_ =	sdelay $0x1  }
0x57: {  	v3 =	vperm.xlane v3, v2;
	v4 =	vadd.s32 v1, v4;
	_ =	sdelay $0x1  }
0x58: {  	v3 =	vadd.s32 v1, v3;
	_ =	sdelay $0x2  }
0x59: {  	[tilespmem:s9], [sflag:$0x1] =	stream.indirect_vreg.gather [hbm4b:s1+s3], $0x80, v4, vm0, $0xb8;
	[tilespmem:$0x10100] =	vst v63  }
0x5a: {  	_ = 	snop  }
0x5b: {  	[tilespmem:s10], [sflag:$0x1] =	stream.indirect_vreg.gather [hbm4b:s1+s3], $0x80, v3, vm0, $0xb8;
	[tilespmem:$0x10100] =	vst v63  }
0x5c: {  	v3 =	vld [tilespmem:$0x60];
	_ =	sdelay $0x4  }
0x5d: {  	v54 =	vshll.u32 v3, $0x1  }
0x5e: {  	v3 =	vand.u32 $0x7, v3;
	v4 =	vand.u32 $0xFFFFFFF0, v54  }
0x5f: {  	v3 =	vor.u32 v3, v4  }
0x60: {  	v4 =	vperm.xlane v3, v0;
	_ =	sdelay $0x1  }
0x61: {  	v3 =	vperm.xlane v3, v2;
	v4 =	vadd.s32 v1, v4;
	_ =	sdelay $0x1  }
0x62: {  	v3 =	vadd.s32 v1, v3;
	_ =	sdelay $0x2  }
0x63: {  	[tilespmem:s11], [sflag:$0x1] =	stream.indirect_vreg.gather [hbm4b:s1+s3], $0x80, v4, vm0, $0xb8;
	[tilespmem:$0x10100] =	vst v63  }
0x64: {  	_ = 	snop  }
0x65: {  	[tilespmem:s12], [sflag:$0x1] =	stream.indirect_vreg.gather [hbm4b:s1+s3], $0x80, v3, vm0, $0xb8;
	[tilespmem:$0x10100] =	vst v63  }
0x66: {  	v3 =	vld [tilespmem:$0x70];
	_ =	sdelay $0x4  }
0x67: {  	v55 =	vshll.u32 v3, $0x1  }
0x68: {  	v3 =	vand.u32 $0x7, v3;
	v4 =	vand.u32 $0xFFFFFFF0, v55  }
0x69: {  	v3 =	vor.u32 v3, v4  }
0x6a: {  	v4 =	vperm.xlane v3, v0;
	_ =	sdelay $0x1  }
0x6b: {  	v3 =	vperm.xlane v3, v2;
	v4 =	vadd.s32 v1, v4;
	_ =	sdelay $0x1  }
0x6c: {  	v3 =	vadd.s32 v1, v3;
	_ =	sdelay $0x2  }
0x6d: {  	[tilespmem:s13], [sflag:$0x1] =	stream.indirect_vreg.gather [hbm4b:s1+s3], $0x80, v4, vm0, $0xb8;
	[tilespmem:$0x10100] =	vst v63  }
0x6e: {  	_ = 	snop  }
0x6f: {  	[tilespmem:s14], [sflag:$0x1] =	stream.indirect_vreg.gather [hbm4b:s1+s3], $0x80, v3, vm0, $0xb8;
	[tilespmem:$0x10100] =	vst v63  }
0x70: {  	v3 =	vld [tilespmem:$0x80];
	_ =	sdelay $0x4  }
0x71: {  	v56 =	vshll.u32 v3, $0x1  }
0x72: {  	v3 =	vand.u32 $0x7, v3;
	v4 =	vand.u32 $0xFFFFFFF0, v56  }
0x73: {  	v3 =	vor.u32 v3, v4  }
0x74: {  	v4 =	vperm.xlane v3, v0;
	_ =	sdelay $0x1  }
0x75: {  	v3 =	vperm.xlane v3, v2;
	v4 =	vadd.s32 v1, v4;
	_ =	sdelay $0x1  }
0x76: {  	v3 =	vadd.s32 v1, v3;
	_ =	sdelay $0x2  }
0x77: {  	[tilespmem:s15], [sflag:$0x1] =	stream.indirect_vreg.gather [hbm4b:s1+s3], $0x80, v4, vm0, $0xb8;
	[tilespmem:$0x10100] =	vst v63  }
0x78: {  	_ = 	snop  }
0x79: {  	[tilespmem:s16], [sflag:$0x1] =	stream.indirect_vreg.gather [hbm4b:s1+s3], $0x80, v3, vm0, $0xb8;
	[tilespmem:$0x10100] =	vst v63  }
0x7a: {  	v3 =	vld [tilespmem:$0x90];
	_ =	sdelay $0x4  }
0x7b: {  	v57 =	vshll.u32 v3, $0x1  }
0x7c: {  	v3 =	vand.u32 $0x7, v3;
	v4 =	vand.u32 $0xFFFFFFF0, v57  }
0x7d: {  	v3 =	vor.u32 v3, v4  }
0x7e: {  	v4 =	vperm.xlane v3, v0;
	_ =	sdelay $0x1  }
0x7f: {  	v3 =	vperm.xlane v3, v2;
	v4 =	vadd.s32 v1, v4;
	_ =	sdelay $0x1  }
0x80: {  	v3 =	vadd.s32 v1, v3;
	_ =	sdelay $0x2  }
0x81: {  	[tilespmem:s17], [sflag:$0x1] =	stream.indirect_vreg.gather [hbm4b:s1+s3], $0x80, v4, vm0, $0xb8;
	[tilespmem:$0x10100] =	vst v63  }
0x82: {  	_ = 	snop  }
0x83: {  	[tilespmem:s18], [sflag:$0x1] =	stream.indirect_vreg.gather [hbm4b:s1+s3], $0x80, v3, vm0, $0xb8;
	[tilespmem:$0x10100] =	vst v63  }
0x84: {  	v3 =	vld [tilespmem:$0xA0];
	_ =	sdelay $0x4  }
0x85: {  	v58 =	vshll.u32 v3, $0x1  }
0x86: {  	v3 =	vand.u32 $0x7, v3;
	v4 =	vand.u32 $0xFFFFFFF0, v58  }
0x87: {  	v3 =	vor.u32 v3, v4  }
0x88: {  	v4 =	vperm.xlane v3, v0;
	_ =	sdelay $0x1  }
0x89: {  	v3 =	vperm.xlane v3, v2;
	v4 =	vadd.s32 v1, v4;
	_ =	sdelay $0x1  }
0x8a: {  	v3 =	vadd.s32 v1, v3;
	_ =	sdelay $0x2  }
0x8b: {  	[tilespmem:s19], [sflag:$0x1] =	stream.indirect_vreg.gather [hbm4b:s1+s3], $0x80, v4, vm0, $0xb8;
	[tilespmem:$0x10100] =	vst v63  }
0x8c: {  	_ = 	snop  }
0x8d: {  	[tilespmem:s20], [sflag:$0x1] =	stream.indirect_vreg.gather [hbm4b:s1+s3], $0x80, v3, vm0, $0xb8;
	[tilespmem:$0x10100] =	vst v63  }
0x8e: {  	v3 =	vld [tilespmem:$0xB0];
	_ =	sdelay $0x4  }
0x8f: {  	v59 =	vshll.u32 v3, $0x1  }
0x90: {  	v3 =	vand.u32 $0x7, v3;
	v4 =	vand.u32 $0xFFFFFFF0, v59  }
0x91: {  	v3 =	vor.u32 v3, v4  }
0x92: {  	v4 =	vperm.xlane v3, v0;
	_ =	sdelay $0x1  }
0x93: {  	v3 =	vperm.xlane v3, v2;
	v4 =	vadd.s32 v1, v4;
	_ =	sdelay $0x1  }
0x94: {  	v3 =	vadd.s32 v1, v3;
	_ =	sdelay $0x2  }
0x95: {  	[tilespmem:s21], [sflag:$0x1] =	stream.indirect_vreg.gather [hbm4b:s1+s3], $0x80, v4, vm0, $0xb8;
	[tilespmem:$0x10100] =	vst v63  }
0x96: {  	_ = 	snop  }
0x97: {  	[tilespmem:s22], [sflag:$0x1] =	stream.indirect_vreg.gather [hbm4b:s1+s3], $0x80, v3, vm0, $0xb8;
	[tilespmem:$0x10100] =	vst v63  }
0x98: {  	v3 =	vld [tilespmem:$0xC0];
	_ =	sdelay $0x4  }
0x99: {  	v60 =	vshll.u32 v3, $0x1  }
0x9a: {  	v3 =	vand.u32 $0x7, v3;
	v4 =	vand.u32 $0xFFFFFFF0, v60  }
0x9b: {  	v3 =	vor.u32 v3, v4  }
0x9c: {  	v4 =	vperm.xlane v3, v0;
	_ =	sdelay $0x1  }
0x9d: {  	v3 =	vperm.xlane v3, v2;
	v4 =	vadd.s32 v1, v4;
	_ =	sdelay $0x1  }
0x9e: {  	v3 =	vadd.s32 v1, v3;
	_ =	sdelay $0x2  }
0x9f: {  	[tilespmem:s23], [sflag:$0x1] =	stream.indirect_vreg.gather [hbm4b:s1+s3], $0x80, v4, vm0, $0xb8;
	[tilespmem:$0x10100] =	vst v63  }
0xa0: {  	_ = 	snop  }
0xa1: {  	[tilespmem:s24], [sflag:$0x1] =	stream.indirect_vreg.gather [hbm4b:s1+s3], $0x80, v3, vm0, $0xb8;
	[tilespmem:$0x10100] =	vst v63  }
0xa2: {  	v3 =	vld [tilespmem:$0xD0];
	_ =	sdelay $0x4  }
0xa3: {  	v61 =	vshll.u32 v3, $0x1  }
0xa4: {  	v3 =	vand.u32 $0x7, v3;
	v4 =	vand.u32 $0xFFFFFFF0, v61  }
0xa5: {  	v3 =	vor.u32 v3, v4  }
0xa6: {  	v4 =	vperm.xlane v3, v0;
	_ =	sdelay $0x1  }
0xa7: {  	v3 =	vperm.xlane v3, v2;
	v4 =	vadd.s32 v1, v4;
	_ =	sdelay $0x1  }
0xa8: {  	v3 =	vadd.s32 v1, v3;
	_ =	sdelay $0x2  }
0xa9: {  	[tilespmem:s25], [sflag:$0x1] =	stream.indirect_vreg.gather [hbm4b:s1+s3], $0x80, v4, vm0, $0xb8;
	[tilespmem:$0x10100] =	vst v63  }
0xaa: {  	_ = 	snop  }
0xab: {  	[tilespmem:s26], [sflag:$0x1] =	stream.indirect_vreg.gather [hbm4b:s1+s3], $0x80, v3, vm0, $0xb8;
	[tilespmem:$0x10100] =	vst v63  }
0xac: {  	v3 =	vld [tilespmem:$0xE0];
	_ =	sdelay $0x4  }
0xad: {  	v62 =	vshll.u32 v3, $0x1  }
0xae: {  	v3 =	vand.u32 $0x7, v3;
	v4 =	vand.u32 $0xFFFFFFF0, v62  }
0xaf: {  	v3 =	vor.u32 v3, v4  }
0xb0: {  	v4 =	vperm.xlane v3, v0;
	_ =	sdelay $0x1  }
0xb1: {  	v3 =	vperm.xlane v3, v2;
	v4 =	vadd.s32 v1, v4;
	_ =	sdelay $0x1  }
0xb2: {  	v3 =	vadd.s32 v1, v3;
	_ =	sdelay $0x2  }
0xb3: {  	[tilespmem:s28], [sflag:$0x1] =	stream.indirect_vreg.gather [hbm4b:s1+s3], $0x80, v4, vm0, $0xb8;
	[tilespmem:$0x10100] =	vst v63  }
0xb4: {  	_ = 	snop  }
0xb5: {  	[tilespmem:s29], [sflag:$0x1] =	stream.indirect_vreg.gather [hbm4b:s1+s3], $0x80, v3, vm0, $0xb8;
	[tilespmem:$0x10100] =	vst v63  }
0xb6: {  	v3 =	vld [tilespmem:$0xF0];
	_ =	sdelay $0x4  }
0xb7: {  	v63 =	vshll.u32 v3, $0x1  }
0xb8: {  	v3 =	vand.u32 $0x7, v3;
	v4 =	vand.u32 $0xFFFFFFF0, v63  }
0xb9: {  	v3 =	vor.u32 v3, v4  }
0xba: {  	v4 =	vperm.xlane v3, v0;
	_ =	sdelay $0x1  }
0xbb: {  	v3 =	vperm.xlane v3, v2;
	v4 =	vadd.s32 v1, v4;
	_ =	sdelay $0x1  }
0xbc: {  	v3 =	vadd.s32 v1, v3;
	_ =	sdelay $0x2  }
0xbd: {  	[tilespmem:s30], [sflag:$0x1] =	stream.indirect_vreg.gather [hbm4b:s1+s3], $0x80, v4, vm0, $0xb8;
	[tilespmem:$0x10100] =	vst v63  }
0xbe: {  	_ = 	snop  }
0xbf: {  	[tilespmem:s31], [sflag:$0x1] =	stream.indirect_vreg.gather [hbm4b:s1+s3], $0x80, v3, vm0, $0xb8;
	[tilespmem:$0x10100] =	vst v63  }
0xc0: {  	_ =	swait.ge [sflag:s2], $0x10000  }
0xc1: {  	p0 =	sne.s32 s4, $0x1;
	[sflag:s2] =	ssyncset.done $0x0  }
.Ltmp0:
0xc2: {  	s7 =	rddreg [dreg:$0x5];
	[sflag:s2] =	ssyncadd.s32 $0xFFFF0000;
	(pc) =	sbr.rel @p0 .LBB2_1-.Ltmp0, $4  }
0xc3: {  	[hbm4b:s7+s3] =	stream.linear.scatter [tilespmem:s6], [sflag:$0x2], $0x10000, $0x38;
	[tilespmem:$0x10100] =	vst v63  }
0xc4: {  	_ =	swait.ge [sflag:s5], $0x10000  }
0xc5: {  	[sflag:s5] =	ssyncset.done $0x0  }
0xc6: {  	s4 =	sadd.s32 $0xFFFFFFFF, s4;
	[sflag:s5] =	ssyncadd.s32 $0xFFFF0000  }
0xc7: {  	_ =	sfence.sel $0x180000  }
0xc8: {  	[bflag:$0x0] =	sbarrier.arrive $0xFFFF  }
0xc9: {  	_ =	strace $0x90000047  }
0xca: {  	s0 =	stileid.u32;
	[bflag:$0x2] =	sbarrier.arrive $0xFFFF  }
0xcb: {  	p0 =	sne.s32 s0, $0x0;
	s0 =	rddreg [dreg:$0x3]  }
0xcc: {  	s0 =	sadd.s32 @!p0 $0x100000, s0  }
0xcd: {  	[sflag:s0] =	ssyncadd.tile.s32 @!p0 $0x1;
	_ =	shalt  }
.Lfunc_end2:
_tile_overlayer_lowered:
.L_overlay_start_2:
0xce: {  	(tag) =	ssettag $0x2  }
0xcf: {  	s0 =	rddreg [dreg:$0x0];
	s2 =	stileid.u32  }
0xd0: {  	s1 =	rddreg [dreg:$0x1];
	p0 =	sne.s32 s2, $0x0  }
0xd1: {  	s3 =	rddreg [dreg:$0x2];
	[bflag:$0x3] =	sbarrier.arrive $0xFFFF;
	s2 =	simm.s32 @!p0 $0x1C02  }
0xd2: {  	[timem:s3], [sflag:s2] =	dma.local @!p0 [hbm:s0], s1  }
0xd3: {  	s0 =	simm.s32 @!p0 $0x2  }
0xd4: {  	_ =	swait.ge @!p0 [sflag:s0], s1  }
0xd5: {  	s1 =	ssub.s32 @!p0 $0x0, s1;
	[sflag:s0] =	ssyncset.done @!p0 $0x0  }
0xd6: {  	[sflag:s0] =	ssyncadd.s32 @!p0 s1  }
0xd7: {  	[bflag:$0x3] =	sbarrier.arrive $0xFFFF  }
0xd8: {  	_ =	shalt  }

</sc_bundles>
